<compile_context>
chip_gen: v7x
topology: tpu7x:2x2x1
jax: 0.10.2.dev20260603
libtpu: 0.0.44.dev20260713+nightly
codegen_flags: <defaults>
</compile_context>

<pallas_src>
import jax
import jax.numpy as jnp
from jax import lax
from jax.experimental import pallas as pl
from jax.experimental.pallas import tpu as pltpu
from jax.experimental.pallas import tpu_sc as plsc

N_IMGS = 2000
N_PTS = 500000
N_OBS = 2000000

NC = 2
NS = 16
NW = NC * NS
L = 16

CHUNK = 3200
BLK = 128
NBLK = CHUNK // BLK
NROWS = N_OBS // BLK
NCHUNKS = N_OBS // CHUNK
KMAX = -(-NCHUNKS // NW)


def _body(uv2d_hbm, ci_hbm, pi_hbm, pose_hbm, pts4_hbm, ouv_hbm,
          pose_v, ci_v, pi_v, uv_v, pts_v, ouv_v, sem):
    wid = lax.axis_index("s") * NC + lax.axis_index("c")
    pltpu.sync_copy(pose_hbm, pose_v)

    iota = lax.iota(jnp.int32, L)
    zero = jnp.zeros((L,), jnp.int32)
    one = jnp.full((L,), 1, jnp.int32)
    two = jnp.full((L,), 2, jnp.int32)

    def do_chunk(k, _):
        c = k * NW + wid

        @pl.when(c < NCHUNKS)
        def _():
            base = c * CHUNK
            rbase = c * NBLK
            pltpu.sync_copy(ci_hbm.at[pl.ds(base, CHUNK)], ci_v)
            pltpu.sync_copy(pi_hbm.at[pl.ds(rbase, NBLK)], pi_v)
            pltpu.sync_copy(uv2d_hbm.at[pl.ds(rbase, NBLK)],
                            uv_v.at[pl.ds(0, NBLK)])
            pltpu.sync_copy(uv2d_hbm.at[pl.ds(NROWS + rbase, NBLK)],
                            uv_v.at[pl.ds(NBLK, NBLK)])
            copies = [
                pltpu.async_copy(pts4_hbm.at[pi_v.at[j]],
                                 pts_v.at[pl.ds(j * BLK, BLK)], sem)
                for j in range(NBLK)
            ]
            for cp in copies:
                cp.wait()

            def grp(g, _):
                o = g * L + iota
                row = lax.shift_right_logical(o, 7)
                col = lax.bitwise_and(o, 127)
                ci = ci_v[pl.ds(g * L, L)]
                prow = lax.shift_right_logical(ci, 3)
                pbase = lax.shift_left(lax.bitwise_and(ci, 7), 4)
                cam = [plsc.load_gather(pose_v, [prow, pbase + j])
                       for j in range(10)]
                tx, ty, tz, qx, qy, qz, qw, fo, k1, k2 = cam
                px = plsc.load_gather(pts_v, [o, zero])
                py = plsc.load_gather(pts_v, [o, one])
                pz = plsc.load_gather(pts_v, [o, two])
                u2d = plsc.load_gather(uv_v, [row, col])
                v2d = plsc.load_gather(uv_v, [row + NBLK, col])

                nq = qx * qx + qy * qy + qz * qz + qw * qw
                c1x = qy * pz - qz * py
                c1y = qz * px - qx * pz
                c1z = qx * py - qy * px
                c2x = qy * c1z - qz * c1y
                c2y = qz * c1x - qx * c1z
                c2z = qx * c1y - qy * c1x
                s = 2.0 / nq
                rx = px + s * (qw * c1x + c2x) + tx
                ry = py + s * (qw * c1y + c2y) + ty
                rz = pz + s * (qw * c1z + c2z) + tz
                u = rx / rz
                v = ry / rz
                nr = u * u + v * v
                rad = 1.0 + k1 * nr + k2 * nr * nr
                rf = rad * fo
                plsc.store_scatter(ouv_v, [row, col], u * rf - u2d)
                plsc.store_scatter(ouv_v, [row + NBLK, col], v * rf - v2d)
                return 0

            lax.fori_loop(0, CHUNK // L, grp, 0)
            pltpu.sync_copy(ouv_v.at[pl.ds(0, NBLK)],
                            ouv_hbm.at[pl.ds(rbase, NBLK)])
            pltpu.sync_copy(ouv_v.at[pl.ds(NBLK, NBLK)],
                            ouv_hbm.at[pl.ds(NROWS + rbase, NBLK)])

        return 0

    lax.fori_loop(0, KMAX, do_chunk, 0)


def kernel(points_2d, camera_indices, point_indices, pose, points_3d):
    uv2d = jnp.concatenate(
        [points_2d[:, 0].reshape(NROWS, BLK),
         points_2d[:, 1].reshape(NROWS, BLK)], axis=0)
    pi2 = point_indices.reshape(NROWS, BLK)
    pose4 = jnp.pad(pose, ((0, 0), (0, 6))).reshape(N_IMGS // 8, BLK)
    pts4 = jnp.pad(points_3d, ((0, 0), (0, 1)))
    mesh = plsc.VectorSubcoreMesh(core_axis_name="c", subcore_axis_name="s")
    f = pl.kernel(
        _body,
        mesh=mesh,
        compiler_params=pltpu.CompilerParams(
            needs_layout_passes=False, use_tc_tiling_on_sc=False),
        out_type=jax.ShapeDtypeStruct((2 * NROWS, BLK), jnp.float32),
        scratch_types=[
            pltpu.VMEM((N_IMGS // 8, BLK), jnp.float32),
            pltpu.VMEM((CHUNK,), jnp.int32),
            pltpu.VMEM((NBLK, BLK), jnp.int32),
            pltpu.VMEM((2 * NBLK, BLK), jnp.float32),
            pltpu.VMEM((CHUNK, 4), jnp.float32),
            pltpu.VMEM((2 * NBLK, BLK), jnp.float32),
            pltpu.SemaphoreType.DMA,
        ],
    )
    ouv = f(uv2d, camera_indices, pi2, pose4, pts4)
    return jnp.stack([ouv[:NROWS].reshape(-1),
                      ouv[NROWS:].reshape(-1)], axis=-1)

# --- scband reference (transcript-rebuilt; emitter-appended) ---
"""Pipeline reference for scband-colmap-reproj-87007447482946 (READ-ONLY COPY).

The authoritative reference and input builder live on the scoring server;
editing this copy changes nothing except your own understanding.
"""

import jax, jax.numpy as jnp
import numpy as np

N_IMGS = 2000
N_PTS = 500000
N_OBS = 2000000


def _rotate_quat(points, pose7):
    # pose7: [tx,ty,tz, qx,qy,qz,qw]; p_cam = R(q) @ p + t
    t = pose7[..., :3]
    q = pose7[..., 3:7]
    q = q / jnp.linalg.norm(q, axis=-1, keepdims=True)
    qvec = q[..., :3]
    w = q[..., 3:4]
    uv = 2.0 * jnp.cross(qvec, points)
    return points + w * uv + jnp.cross(qvec, uv) + t


def _colmap_project(points, cam):
    p = _rotate_quat(points, cam[..., :7])
    uv = p[..., :2] / p[..., 2:3]
    f = cam[..., -3:-2]
    k1 = cam[..., -2:-1]
    k2 = cam[..., -1:]
    n = jnp.sum(uv ** 2, axis=-1, keepdims=True)
    r = 1.0 + k1 * n + k2 * n ** 2
    return uv * r * f


def setup_inputs(seed: int = 0):
    key = jax.random.key(seed)
    ks = jax.random.split(key, 9)
    points_2d = jax.random.normal(ks[0], (N_OBS, 2), dtype=jnp.float32) * 100.0
    camera_indices = jax.random.randint(ks[1], (N_OBS,), 0, N_IMGS, dtype=jnp.int32)
    point_indices = jax.random.randint(ks[2], (N_OBS,), 0, N_PTS, dtype=jnp.int32)
    # pose params: [tx,ty,tz, qx,qy,qz,qw, f, k1, k2], near-identity rotations
    t = 0.5 * jax.random.normal(ks[3], (N_IMGS, 3), dtype=jnp.float32)
    qxyz = 0.05 * jax.random.normal(ks[4], (N_IMGS, 3), dtype=jnp.float32)
    qw = jnp.ones((N_IMGS, 1), dtype=jnp.float32)
    q = jnp.concatenate([qxyz, qw], axis=-1)
    q = q / jnp.linalg.norm(q, axis=-1, keepdims=True)
    f = 1000.0 + 50.0 * jax.random.normal(ks[5], (N_IMGS, 1), dtype=jnp.float32)
    k1 = 1e-2 * jax.random.normal(ks[6], (N_IMGS, 1), dtype=jnp.float32)
    k2 = 1e-4 * jax.random.normal(ks[7], (N_IMGS, 1), dtype=jnp.float32)
    pose = jnp.concatenate([t, q, f, k1, k2], axis=-1).astype(jnp.float32)
    # 3D points with z in [2, 10] so depth stays positive under near-identity poses
    xy = jax.random.normal(ks[8], (N_PTS, 2), dtype=jnp.float32)
    z = 2.0 + 8.0 * jax.random.uniform(jax.random.fold_in(ks[8], 1), (N_PTS, 1), dtype=jnp.float32)
    points_3d = jnp.concatenate([xy, z], axis=-1).astype(jnp.float32)
    return {
        "points_2d": points_2d,
        "camera_indices": camera_indices,
        "point_indices": point_indices,
        "pose": pose,
        "points_3d": points_3d,
    }


def reference(points_2d, camera_indices, point_indices, pose, points_3d):
    cam = jnp.take(pose, camera_indices, axis=0)
    pts = jnp.take(points_3d, point_indices, axis=0)
    proj = _colmap_project(pts, cam)
    return proj - points_2d

if __name__ == "__main__":
    import jax
    _d = setup_inputs()
    print(jax.jit(kernel)(*tuple(_d.values())))

</pallas_src>

<mosaic_0001>
#map = affine_map<(d0, d1) -> (0, 0)>
#map1 = affine_map<(d0, d1) -> (0)>
module attributes {stable_mosaic.version = 14 : i64} {
  func.func @_body(%arg0: i32, %arg1: i32, %arg2: memref<31250x128xf32, #tpu.memory_space<hbm>>, %arg3: memref<2000000xi32, #tpu.memory_space<hbm>>, %arg4: memref<15625x128xi32, #tpu.memory_space<hbm>>, %arg5: memref<250x128xf32, #tpu.memory_space<hbm>>, %arg6: memref<500000x4xf32, #tpu.memory_space<hbm>>, %arg7: memref<31250x128xf32, #tpu.memory_space<hbm>>, %arg8: memref<250x128xf32, #tpu.memory_space<vmem>>, %arg9: memref<3200xi32, #tpu.memory_space<vmem>>, %arg10: memref<25x128xi32, #tpu.memory_space<vmem>>, %arg11: memref<50x128xf32, #tpu.memory_space<vmem>>, %arg12: memref<3200x4xf32, #tpu.memory_space<vmem>>, %arg13: memref<50x128xf32, #tpu.memory_space<vmem>>, %arg14: memref<!tpu.dma_semaphore, #tpu.memory_space<semaphore_mem>>) attributes {dimension_semantics = [#tpu.dimension_semantics<core_parallel>, #tpu.dimension_semantics<subcore_parallel>], iteration_bounds = array<i64: 2, 16>, scalar_prefetch = 0 : i64, scratch_operands = 7 : i64, tpu.core_type = #tpu.core_type<sc_vector_subcore>, window_params = [{transform_indices = #map}, {transform_indices = #map1}, {transform_indices = #map}, {transform_indices = #map}, {transform_indices = #map}, {transform_indices = #map}]} {
    %mul3A = arith.constant 2 : i32
    %mul3A_0 = arith.muli %arg1, %mul3A : i32
    %add3A = arith.addi %mul3A_0, %arg0 : i32
    "tpu.region"() ({
      %run_scoped3A = tpu.sem_alloc : memref<!tpu.dma_semaphore, #tpu.memory_space<semaphore_mem>>
      tpu.enqueue_dma source(%arg5 : memref<250x128xf32, #tpu.memory_space<hbm>>) target(%arg8 : memref<250x128xf32, #tpu.memory_space<vmem>>) target_semaphore(%run_scoped3A : memref<!tpu.dma_semaphore, #tpu.memory_space<semaphore_mem>>)
      tpu.wait_dma2 semaphore(%run_scoped3A : memref<!tpu.dma_semaphore, #tpu.memory_space<semaphore_mem>>) src(%arg5 : memref<250x128xf32, #tpu.memory_space<hbm>>) dst(%arg8 : memref<250x128xf32, #tpu.memory_space<vmem>>)
      tpu.yield
    }) : () -> ()
    %iota3A = tpu.iota {dimensions = array<i32: 0>} : vector<16xi32>
    %broadcast_in_dim3A = arith.constant 0 : i32
    %broadcast_in_dim3A_1 = vector.broadcast %broadcast_in_dim3A : i32 to vector<16xi32>
    %broadcast_in_dim3A_2 = arith.constant 1 : i32
    %broadcast_in_dim3A_3 = vector.broadcast %broadcast_in_dim3A_2 : i32 to vector<16xi32>
    %broadcast_in_dim3A_4 = arith.constant 2 : i32
    %broadcast_in_dim3A_5 = vector.broadcast %broadcast_in_dim3A_4 : i32 to vector<16xi32>
    %scan3A = arith.constant 0 : i32
    %scan3A_6 = arith.constant 0 : i32
    %scan3A_7 = arith.constant 20 : i32
    %scan3A_8 = arith.addi %scan3A_6, %scan3A_7 : i32
    %scan3A_9 = arith.constant 1 : i32
    %scan3A_10 = scf.for %scan3A_12 = %scan3A_6 to %scan3A_8 step %scan3A_9 iter_args(%scan3A_13 = %scan3A) -> (i32)  : i32 {
      %mul3A_14 = arith.constant 32 : i32
      %mul3A_15 = arith.muli %scan3A_12, %mul3A_14 : i32
      %add3A_16 = arith.addi %mul3A_15, %add3A : i32
      %lt3A = arith.constant 625 : i32
      %lt3A_17 = arith.cmpi slt, %add3A_16, %lt3A : i32
      %convert_element_type3A = arith.extui %lt3A_17 : i1 to i32
      %cond3A = arith.constant 0 : i32
      %cond3A_18 = arith.cmpi ne, %convert_element_type3A, %cond3A : i32
      scf.if %cond3A_18 {
        %mul3A_20 = arith.constant 3200 : i32
        %mul3A_21 = arith.muli %add3A_16, %mul3A_20 : i32
        %mul3A_22 = arith.constant 25 : i32
        %mul3A_23 = arith.muli %add3A_16, %mul3A_22 : i32
        "tpu.region"() ({
          %run_scoped3A = tpu.sem_alloc : memref<!tpu.dma_semaphore, #tpu.memory_space<semaphore_mem>>
          %dma_start3A_533 = tpu.memref_slice %arg3[%mul3A_21] : memref<2000000xi32, #tpu.memory_space<hbm>> -> memref<3200xi32, #tpu.memory_space<hbm>>
          %dma_start3A_534 = tpu.memref_slice %arg3[%mul3A_21] : memref<2000000xi32, #tpu.memory_space<hbm>> -> memref<3200xi32, #tpu.memory_space<hbm>>
          tpu.enqueue_dma source(%dma_start3A_534 : memref<3200xi32, #tpu.memory_space<hbm>>) target(%arg9 : memref<3200xi32, #tpu.memory_space<vmem>>) target_semaphore(%run_scoped3A : memref<!tpu.dma_semaphore, #tpu.memory_space<semaphore_mem>>)
          %dma_wait3A_535 = tpu.memref_slice %arg3[%mul3A_21] : memref<2000000xi32, #tpu.memory_space<hbm>> -> memref<3200xi32, #tpu.memory_space<hbm>>
          %dma_wait3A_536 = tpu.memref_slice %arg3[%mul3A_21] : memref<2000000xi32, #tpu.memory_space<hbm>> -> memref<3200xi32, #tpu.memory_space<hbm>>
          tpu.wait_dma2 semaphore(%run_scoped3A : memref<!tpu.dma_semaphore, #tpu.memory_space<semaphore_mem>>) src(%dma_wait3A_536 : memref<3200xi32, #tpu.memory_space<hbm>>) dst(%arg9 : memref<3200xi32, #tpu.memory_space<vmem>>)
          tpu.yield
        }) : () -> ()
        "tpu.region"() ({
          %run_scoped3A = tpu.sem_alloc : memref<!tpu.dma_semaphore, #tpu.memory_space<semaphore_mem>>
          %dma_start3A_533 = arith.constant 0 : i32
          %dma_start3A_534 = tpu.memref_slice %arg4[%mul3A_23, %dma_start3A_533] : memref<15625x128xi32, #tpu.memory_space<hbm>> -> memref<25x128xi32, #tpu.memory_space<hbm>>
          %dma_start3A_535 = arith.constant 0 : i32
          %dma_start3A_536 = tpu.memref_slice %arg4[%mul3A_23, %dma_start3A_535] : memref<15625x128xi32, #tpu.memory_space<hbm>> -> memref<25x128xi32, #tpu.memory_space<hbm>>
          tpu.enqueue_dma source(%dma_start3A_536 : memref<25x128xi32, #tpu.memory_space<hbm>>) target(%arg10 : memref<25x128xi32, #tpu.memory_space<vmem>>) target_semaphore(%run_scoped3A : memref<!tpu.dma_semaphore, #tpu.memory_space<semaphore_mem>>)
          %dma_wait3A_537 = arith.constant 0 : i32
          %dma_wait3A_538 = tpu.memref_slice %arg4[%mul3A_23, %dma_wait3A_537] : memref<15625x128xi32, #tpu.memory_space<hbm>> -> memref<25x128xi32, #tpu.memory_space<hbm>>
          %dma_wait3A_539 = arith.constant 0 : i32
          %dma_wait3A_540 = tpu.memref_slice %arg4[%mul3A_23, %dma_wait3A_539] : memref<15625x128xi32, #tpu.memory_space<hbm>> -> memref<25x128xi32, #tpu.memory_space<hbm>>
          tpu.wait_dma2 semaphore(%run_scoped3A : memref<!tpu.dma_semaphore, #tpu.memory_space<semaphore_mem>>) src(%dma_wait3A_540 : memref<25x128xi32, #tpu.memory_space<hbm>>) dst(%arg10 : memref<25x128xi32, #tpu.memory_space<vmem>>)
          tpu.yield
        }) : () -> ()
        "tpu.region"() ({
          %run_scoped3A = tpu.sem_alloc : memref<!tpu.dma_semaphore, #tpu.memory_space<semaphore_mem>>
          %dma_start3A_533 = arith.constant 0 : i32
          %dma_start3A_534 = arith.constant 0 : i32
          %dma_start3A_535 = tpu.memref_slice %arg11[%dma_start3A_533, %dma_start3A_534] : memref<50x128xf32, #tpu.memory_space<vmem>> -> memref<25x128xf32, #tpu.memory_space<vmem>>
          %dma_start3A_536 = arith.constant 0 : i32
          %dma_start3A_537 = tpu.memref_slice %arg2[%mul3A_23, %dma_start3A_536] : memref<31250x128xf32, #tpu.memory_space<hbm>> -> memref<25x128xf32, #tpu.memory_space<hbm>>
          %dma_start3A_538 = arith.constant 0 : i32
          %dma_start3A_539 = arith.constant 0 : i32
          %dma_start3A_540 = tpu.memref_slice %arg11[%dma_start3A_538, %dma_start3A_539] : memref<50x128xf32, #tpu.memory_space<vmem>> -> memref<25x128xf32, #tpu.memory_space<vmem>>
          %dma_start3A_541 = arith.constant 0 : i32
          %dma_start3A_542 = tpu.memref_slice %arg2[%mul3A_23, %dma_start3A_541] : memref<31250x128xf32, #tpu.memory_space<hbm>> -> memref<25x128xf32, #tpu.memory_space<hbm>>
          tpu.enqueue_dma source(%dma_start3A_542 : memref<25x128xf32, #tpu.memory_space<hbm>>) target(%dma_start3A_540 : memref<25x128xf32, #tpu.memory_space<vmem>>) target_semaphore(%run_scoped3A : memref<!tpu.dma_semaphore, #tpu.memory_space<semaphore_mem>>)
          %dma_wait3A_543 = arith.constant 0 : i32
          %dma_wait3A_544 = arith.constant 0 : i32
          %dma_wait3A_545 = tpu.memref_slice %arg11[%dma_wait3A_543, %dma_wait3A_544] : memref<50x128xf32, #tpu.memory_space<vmem>> -> memref<25x128xf32, #tpu.memory_space<vmem>>
          %dma_wait3A_546 = arith.constant 0 : i32
          %dma_wait3A_547 = tpu.memref_slice %arg2[%mul3A_23, %dma_wait3A_546] : memref<31250x128xf32, #tpu.memory_space<hbm>> -> memref<25x128xf32, #tpu.memory_space<hbm>>
          %dma_wait3A_548 = arith.constant 0 : i32
          %dma_wait3A_549 = arith.constant 0 : i32
          %dma_wait3A_550 = tpu.memref_slice %arg11[%dma_wait3A_548, %dma_wait3A_549] : memref<50x128xf32, #tpu.memory_space<vmem>> -> memref<25x128xf32, #tpu.memory_space<vmem>>
          %dma_wait3A_551 = arith.constant 0 : i32
          %dma_wait3A_552 = tpu.memref_slice %arg2[%mul3A_23, %dma_wait3A_551] : memref<31250x128xf32, #tpu.memory_space<hbm>> -> memref<25x128xf32, #tpu.memory_space<hbm>>
          tpu.wait_dma2 semaphore(%run_scoped3A : memref<!tpu.dma_semaphore, #tpu.memory_space<semaphore_mem>>) src(%dma_wait3A_552 : memref<25x128xf32, #tpu.memory_space<hbm>>) dst(%dma_wait3A_550 : memref<25x128xf32, #tpu.memory_space<vmem>>)
          tpu.yield
        }) : () -> ()
        %add3A_24 = arith.constant 15625 : i32
        %add3A_25 = arith.addi %add3A_24, %mul3A_23 : i32
        "tpu.region"() ({
          %run_scoped3A = tpu.sem_alloc : memref<!tpu.dma_semaphore, #tpu.memory_space<semaphore_mem>>
          %dma_start3A_533 = arith.constant 25 : i32
          %dma_start3A_534 = arith.constant 0 : i32
          %dma_start3A_535 = tpu.memref_slice %arg11[%dma_start3A_533, %dma_start3A_534] : memref<50x128xf32, #tpu.memory_space<vmem>> -> memref<25x128xf32, #tpu.memory_space<vmem>>
          %dma_start3A_536 = arith.constant 0 : i32
          %dma_start3A_537 = tpu.memref_slice %arg2[%add3A_25, %dma_start3A_536] : memref<31250x128xf32, #tpu.memory_space<hbm>> -> memref<25x128xf32, #tpu.memory_space<hbm>>
          %dma_start3A_538 = arith.constant 25 : i32
          %dma_start3A_539 = arith.constant 0 : i32
          %dma_start3A_540 = tpu.memref_slice %arg11[%dma_start3A_538, %dma_start3A_539] : memref<50x128xf32, #tpu.memory_space<vmem>> -> memref<25x128xf32, #tpu.memory_space<vmem>>
          %dma_start3A_541 = arith.constant 0 : i32
          %dma_start3A_542 = tpu.memref_slice %arg2[%add3A_25, %dma_start3A_541] : memref<31250x128xf32, #tpu.memory_space<hbm>> -> memref<25x128xf32, #tpu.memory_space<hbm>>
          tpu.enqueue_dma source(%dma_start3A_542 : memref<25x128xf32, #tpu.memory_space<hbm>>) target(%dma_start3A_540 : memref<25x128xf32, #tpu.memory_space<vmem>>) target_semaphore(%run_scoped3A : memref<!tpu.dma_semaphore, #tpu.memory_space<semaphore_mem>>)
          %dma_wait3A_543 = arith.constant 25 : i32
          %dma_wait3A_544 = arith.constant 0 : i32
          %dma_wait3A_545 = tpu.memref_slice %arg11[%dma_wait3A_543, %dma_wait3A_544] : memref<50x128xf32, #tpu.memory_space<vmem>> -> memref<25x128xf32, #tpu.memory_space<vmem>>
          %dma_wait3A_546 = arith.constant 0 : i32
          %dma_wait3A_547 = tpu.memref_slice %arg2[%add3A_25, %dma_wait3A_546] : memref<31250x128xf32, #tpu.memory_space<hbm>> -> memref<25x128xf32, #tpu.memory_space<hbm>>
          %dma_wait3A_548 = arith.constant 25 : i32
          %dma_wait3A_549 = arith.constant 0 : i32
          %dma_wait3A_550 = tpu.memref_slice %arg11[%dma_wait3A_548, %dma_wait3A_549] : memref<50x128xf32, #tpu.memory_space<vmem>> -> memref<25x128xf32, #tpu.memory_space<vmem>>
          %dma_wait3A_551 = arith.constant 0 : i32
          %dma_wait3A_552 = tpu.memref_slice %arg2[%add3A_25, %dma_wait3A_551] : memref<31250x128xf32, #tpu.memory_space<hbm>> -> memref<25x128xf32, #tpu.memory_space<hbm>>
          tpu.wait_dma2 semaphore(%run_scoped3A : memref<!tpu.dma_semaphore, #tpu.memory_space<semaphore_mem>>) src(%dma_wait3A_552 : memref<25x128xf32, #tpu.memory_space<hbm>>) dst(%dma_wait3A_550 : memref<25x128xf32, #tpu.memory_space<vmem>>)
          tpu.yield
        }) : () -> ()
        %dma_start3A = arith.constant 0 : i32
        %dma_start3A_26 = arith.constant 0 : i32
        %dma_start3A_27 = arith.constant 0 : i32
        %dma_start3A_28 = tpu.memref_slice %arg12[%dma_start3A_26, %dma_start3A_27] : memref<3200x4xf32, #tpu.memory_space<vmem>> -> memref<128x4xf32, #tpu.memory_space<vmem>>
        %dma_start3A_29 = arith.constant 0 : i32
        %dma_start3A_30 = tpu.memref_slice %arg10[%dma_start3A, %dma_start3A_29] : memref<25x128xi32, #tpu.memory_space<vmem>> -> memref<1x128xi32, #tpu.memory_space<vmem>>
        %dma_start3A_31 = tpu.memref_squeeze %dma_start3A_30 : memref<1x128xi32, #tpu.memory_space<vmem>> -> memref<128xi32, #tpu.memory_space<vmem>>
        %dma_start3A_32 = arith.constant 0 : i32
        %dma_start3A_33 = arith.constant 0 : i32
        %dma_start3A_34 = tpu.memref_slice %arg6[%dma_start3A_32, %dma_start3A_33] : memref<500000x4xf32, #tpu.memory_space<hbm>> -> memref<500000x4xf32, #tpu.memory_space<hbm>>
        tpu.enqueue_indirect_dma source(%dma_start3A_34 : memref<500000x4xf32, #tpu.memory_space<hbm>>) target(%dma_start3A_28 : memref<128x4xf32, #tpu.memory_space<vmem>>) offsets(%dma_start3A_31 : memref<128xi32, #tpu.memory_space<vmem>>) semaphore(%arg14 : memref<!tpu.dma_semaphore, #tpu.memory_space<semaphore_mem>>)
        %dma_start3A_35 = arith.constant 1 : i32
        %dma_start3A_36 = arith.constant 128 : i32
        %dma_start3A_37 = arith.constant 0 : i32
        %dma_start3A_38 = tpu.memref_slice %arg12[%dma_start3A_36, %dma_start3A_37] : memref<3200x4xf32, #tpu.memory_space<vmem>> -> memref<128x4xf32, #tpu.memory_space<vmem>>
        %dma_start3A_39 = arith.constant 0 : i32
        %dma_start3A_40 = tpu.memref_slice %arg10[%dma_start3A_35, %dma_start3A_39] : memref<25x128xi32, #tpu.memory_space<vmem>> -> memref<1x128xi32, #tpu.memory_space<vmem>>
        %dma_start3A_41 = tpu.memref_squeeze %dma_start3A_40 : memref<1x128xi32, #tpu.memory_space<vmem>> -> memref<128xi32, #tpu.memory_space<vmem>>
        %dma_start3A_42 = arith.constant 0 : i32
        %dma_start3A_43 = arith.constant 0 : i32
        %dma_start3A_44 = tpu.memref_slice %arg6[%dma_start3A_42, %dma_start3A_43] : memref<500000x4xf32, #tpu.memory_space<hbm>> -> memref<500000x4xf32, #tpu.memory_space<hbm>>
        tpu.enqueue_indirect_dma source(%dma_start3A_44 : memref<500000x4xf32, #tpu.memory_space<hbm>>) target(%dma_start3A_38 : memref<128x4xf32, #tpu.memory_space<vmem>>) offsets(%dma_start3A_41 : memref<128xi32, #tpu.memory_space<vmem>>) semaphore(%arg14 : memref<!tpu.dma_semaphore, #tpu.memory_space<semaphore_mem>>)
        %dma_start3A_45 = arith.constant 2 : i32
        %dma_start3A_46 = arith.constant 256 : i32
        %dma_start3A_47 = arith.constant 0 : i32
        %dma_start3A_48 = tpu.memref_slice %arg12[%dma_start3A_46, %dma_start3A_47] : memref<3200x4xf32, #tpu.memory_space<vmem>> -> memref<128x4xf32, #tpu.memory_space<vmem>>
        %dma_start3A_49 = arith.constant 0 : i32
        %dma_start3A_50 = tpu.memref_slice %arg10[%dma_start3A_45, %dma_start3A_49] : memref<25x128xi32, #tpu.memory_space<vmem>> -> memref<1x128xi32, #tpu.memory_space<vmem>>
        %dma_start3A_51 = tpu.memref_squeeze %dma_start3A_50 : memref<1x128xi32, #tpu.memory_space<vmem>> -> memref<128xi32, #tpu.memory_space<vmem>>
        %dma_start3A_52 = arith.constant 0 : i32
        %dma_start3A_53 = arith.constant 0 : i32
        %dma_start3A_54 = tpu.memref_slice %arg6[%dma_start3A_52, %dma_start3A_53] : memref<500000x4xf32, #tpu.memory_space<hbm>> -> memref<500000x4xf32, #tpu.memory_space<hbm>>
        tpu.enqueue_indirect_dma source(%dma_start3A_54 : memref<500000x4xf32, #tpu.memory_space<hbm>>) target(%dma_start3A_48 : memref<128x4xf32, #tpu.memory_space<vmem>>) offsets(%dma_start3A_51 : memref<128xi32, #tpu.memory_space<vmem>>) semaphore(%arg14 : memref<!tpu.dma_semaphore, #tpu.memory_space<semaphore_mem>>)
        %dma_start3A_55 = arith.constant 3 : i32
        %dma_start3A_56 = arith.constant 384 : i32
        %dma_start3A_57 = arith.constant 0 : i32
        %dma_start3A_58 = tpu.memref_slice %arg12[%dma_start3A_56, %dma_start3A_57] : memref<3200x4xf32, #tpu.memory_space<vmem>> -> memref<128x4xf32, #tpu.memory_space<vmem>>
        %dma_start3A_59 = arith.constant 0 : i32
        %dma_start3A_60 = tpu.memref_slice %arg10[%dma_start3A_55, %dma_start3A_59] : memref<25x128xi32, #tpu.memory_space<vmem>> -> memref<1x128xi32, #tpu.memory_space<vmem>>
        %dma_start3A_61 = tpu.memref_squeeze %dma_start3A_60 : memref<1x128xi32, #tpu.memory_space<vmem>> -> memref<128xi32, #tpu.memory_space<vmem>>
        %dma_start3A_62 = arith.constant 0 : i32
        %dma_start3A_63 = arith.constant 0 : i32
        %dma_start3A_64 = tpu.memref_slice %arg6[%dma_start3A_62, %dma_start3A_63] : memref<500000x4xf32, #tpu.memory_space<hbm>> -> memref<500000x4xf32, #tpu.memory_space<hbm>>
        tpu.enqueue_indirect_dma source(%dma_start3A_64 : memref<500000x4xf32, #tpu.memory_space<hbm>>) target(%dma_start3A_58 : memref<128x4xf32, #tpu.memory_space<vmem>>) offsets(%dma_start3A_61 : memref<128xi32, #tpu.memory_space<vmem>>) semaphore(%arg14 : memref<!tpu.dma_semaphore, #tpu.memory_space<semaphore_mem>>)
        %dma_start3A_65 = arith.constant 4 : i32
        %dma_start3A_66 = arith.constant 512 : i32
        %dma_start3A_67 = arith.constant 0 : i32
        %dma_start3A_68 = tpu.memref_slice %arg12[%dma_start3A_66, %dma_start3A_67] : memref<3200x4xf32, #tpu.memory_space<vmem>> -> memref<128x4xf32, #tpu.memory_space<vmem>>
        %dma_start3A_69 = arith.constant 0 : i32
        %dma_start3A_70 = tpu.memref_slice %arg10[%dma_start3A_65, %dma_start3A_69] : memref<25x128xi32, #tpu.memory_space<vmem>> -> memref<1x128xi32, #tpu.memory_space<vmem>>
        %dma_start3A_71 = tpu.memref_squeeze %dma_start3A_70 : memref<1x128xi32, #tpu.memory_space<vmem>> -> memref<128xi32, #tpu.memory_space<vmem>>
        %dma_start3A_72 = arith.constant 0 : i32
        %dma_start3A_73 = arith.constant 0 : i32
        %dma_start3A_74 = tpu.memref_slice %arg6[%dma_start3A_72, %dma_start3A_73] : memref<500000x4xf32, #tpu.memory_space<hbm>> -> memref<500000x4xf32, #tpu.memory_space<hbm>>
        tpu.enqueue_indirect_dma source(%dma_start3A_74 : memref<500000x4xf32, #tpu.memory_space<hbm>>) target(%dma_start3A_68 : memref<128x4xf32, #tpu.memory_space<vmem>>) offsets(%dma_start3A_71 : memref<128xi32, #tpu.memory_space<vmem>>) semaphore(%arg14 : memref<!tpu.dma_semaphore, #tpu.memory_space<semaphore_mem>>)
        %dma_start3A_75 = arith.constant 5 : i32
        %dma_start3A_76 = arith.constant 640 : i32
        %dma_start3A_77 = arith.constant 0 : i32
        %dma_start3A_78 = tpu.memref_slice %arg12[%dma_start3A_76, %dma_start3A_77] : memref<3200x4xf32, #tpu.memory_space<vmem>> -> memref<128x4xf32, #tpu.memory_space<vmem>>
        %dma_start3A_79 = arith.constant 0 : i32
        %dma_start3A_80 = tpu.memref_slice %arg10[%dma_start3A_75, %dma_start3A_79] : memref<25x128xi32, #tpu.memory_space<vmem>> -> memref<1x128xi32, #tpu.memory_space<vmem>>
        %dma_start3A_81 = tpu.memref_squeeze %dma_start3A_80 : memref<1x128xi32, #tpu.memory_space<vmem>> -> memref<128xi32, #tpu.memory_space<vmem>>
        %dma_start3A_82 = arith.constant 0 : i32
        %dma_start3A_83 = arith.constant 0 : i32
        %dma_start3A_84 = tpu.memref_slice %arg6[%dma_start3A_82, %dma_start3A_83] : memref<500000x4xf32, #tpu.memory_space<hbm>> -> memref<500000x4xf32, #tpu.memory_space<hbm>>
        tpu.enqueue_indirect_dma source(%dma_start3A_84 : memref<500000x4xf32, #tpu.memory_space<hbm>>) target(%dma_start3A_78 : memref<128x4xf32, #tpu.memory_space<vmem>>) offsets(%dma_start3A_81 : memref<128xi32, #tpu.memory_space<vmem>>) semaphore(%arg14 : memref<!tpu.dma_semaphore, #tpu.memory_space<semaphore_mem>>)
        %dma_start3A_85 = arith.constant 6 : i32
        %dma_start3A_86 = arith.constant 768 : i32
        %dma_start3A_87 = arith.constant 0 : i32
        %dma_start3A_88 = tpu.memref_slice %arg12[%dma_start3A_86, %dma_start3A_87] : memref<3200x4xf32, #tpu.memory_space<vmem>> -> memref<128x4xf32, #tpu.memory_space<vmem>>
        %dma_start3A_89 = arith.constant 0 : i32
        %dma_start3A_90 = tpu.memref_slice %arg10[%dma_start3A_85, %dma_start3A_89] : memref<25x128xi32, #tpu.memory_space<vmem>> -> memref<1x128xi32, #tpu.memory_space<vmem>>
        %dma_start3A_91 = tpu.memref_squeeze %dma_start3A_90 : memref<1x128xi32, #tpu.memory_space<vmem>> -> memref<128xi32, #tpu.memory_space<vmem>>
        %dma_start3A_92 = arith.constant 0 : i32
        %dma_start3A_93 = arith.constant 0 : i32
        %dma_start3A_94 = tpu.memref_slice %arg6[%dma_start3A_92, %dma_start3A_93] : memref<500000x4xf32, #tpu.memory_space<hbm>> -> memref<500000x4xf32, #tpu.memory_space<hbm>>
        tpu.enqueue_indirect_dma source(%dma_start3A_94 : memref<500000x4xf32, #tpu.memory_space<hbm>>) target(%dma_start3A_88 : memref<128x4xf32, #tpu.memory_space<vmem>>) offsets(%dma_start3A_91 : memref<128xi32, #tpu.memory_space<vmem>>) semaphore(%arg14 : memref<!tpu.dma_semaphore, #tpu.memory_space<semaphore_mem>>)
        %dma_start3A_95 = arith.constant 7 : i32
        %dma_start3A_96 = arith.constant 896 : i32
        %dma_start3A_97 = arith.constant 0 : i32
        %dma_start3A_98 = tpu.memref_slice %arg12[%dma_start3A_96, %dma_start3A_97] : memref<3200x4xf32, #tpu.memory_space<vmem>> -> memref<128x4xf32, #tpu.memory_space<vmem>>
        %dma_start3A_99 = arith.constant 0 : i32
        %dma_start3A_100 = tpu.memref_slice %arg10[%dma_start3A_95, %dma_start3A_99] : memref<25x128xi32, #tpu.memory_space<vmem>> -> memref<1x128xi32, #tpu.memory_space<vmem>>
        %dma_start3A_101 = tpu.memref_squeeze %dma_start3A_100 : memref<1x128xi32, #tpu.memory_space<vmem>> -> memref<128xi32, #tpu.memory_space<vmem>>
        %dma_start3A_102 = arith.constant 0 : i32
        %dma_start3A_103 = arith.constant 0 : i32
        %dma_start3A_104 = tpu.memref_slice %arg6[%dma_start3A_102, %dma_start3A_103] : memref<500000x4xf32, #tpu.memory_space<hbm>> -> memref<500000x4xf32, #tpu.memory_space<hbm>>
        tpu.enqueue_indirect_dma source(%dma_start3A_104 : memref<500000x4xf32, #tpu.memory_space<hbm>>) target(%dma_start3A_98 : memref<128x4xf32, #tpu.memory_space<vmem>>) offsets(%dma_start3A_101 : memref<128xi32, #tpu.memory_space<vmem>>) semaphore(%arg14 : memref<!tpu.dma_semaphore, #tpu.memory_space<semaphore_mem>>)
        %dma_start3A_105 = arith.constant 8 : i32
        %dma_start3A_106 = arith.constant 1024 : i32
        %dma_start3A_107 = arith.constant 0 : i32
        %dma_start3A_108 = tpu.memref_slice %arg12[%dma_start3A_106, %dma_start3A_107] : memref<3200x4xf32, #tpu.memory_space<vmem>> -> memref<128x4xf32, #tpu.memory_space<vmem>>
        %dma_start3A_109 = arith.constant 0 : i32
        %dma_start3A_110 = tpu.memref_slice %arg10[%dma_start3A_105, %dma_start3A_109] : memref<25x128xi32, #tpu.memory_space<vmem>> -> memref<1x128xi32, #tpu.memory_space<vmem>>
        %dma_start3A_111 = tpu.memref_squeeze %dma_start3A_110 : memref<1x128xi32, #tpu.memory_space<vmem>> -> memref<128xi32, #tpu.memory_space<vmem>>
        %dma_start3A_112 = arith.constant 0 : i32
        %dma_start3A_113 = arith.constant 0 : i32
        %dma_start3A_114 = tpu.memref_slice %arg6[%dma_start3A_112, %dma_start3A_113] : memref<500000x4xf32, #tpu.memory_space<hbm>> -> memref<500000x4xf32, #tpu.memory_space<hbm>>
        tpu.enqueue_indirect_dma source(%dma_start3A_114 : memref<500000x4xf32, #tpu.memory_space<hbm>>) target(%dma_start3A_108 : memref<128x4xf32, #tpu.memory_space<vmem>>) offsets(%dma_start3A_111 : memref<128xi32, #tpu.memory_space<vmem>>) semaphore(%arg14 : memref<!tpu.dma_semaphore, #tpu.memory_space<semaphore_mem>>)
        %dma_start3A_115 = arith.constant 9 : i32
        %dma_start3A_116 = arith.constant 1152 : i32
        %dma_start3A_117 = arith.constant 0 : i32
        %dma_start3A_118 = tpu.memref_slice %arg12[%dma_start3A_116, %dma_start3A_117] : memref<3200x4xf32, #tpu.memory_space<vmem>> -> memref<128x4xf32, #tpu.memory_space<vmem>>
        %dma_start3A_119 = arith.constant 0 : i32
        %dma_start3A_120 = tpu.memref_slice %arg10[%dma_start3A_115, %dma_start3A_119] : memref<25x128xi32, #tpu.memory_space<vmem>> -> memref<1x128xi32, #tpu.memory_space<vmem>>
        %dma_start3A_121 = tpu.memref_squeeze %dma_start3A_120 : memref<1x128xi32, #tpu.memory_space<vmem>> -> memref<128xi32, #tpu.memory_space<vmem>>
        %dma_start3A_122 = arith.constant 0 : i32
        %dma_start3A_123 = arith.constant 0 : i32
        %dma_start3A_124 = tpu.memref_slice %arg6[%dma_start3A_122, %dma_start3A_123] : memref<500000x4xf32, #tpu.memory_space<hbm>> -> memref<500000x4xf32, #tpu.memory_space<hbm>>
        tpu.enqueue_indirect_dma source(%dma_start3A_124 : memref<500000x4xf32, #tpu.memory_space<hbm>>) target(%dma_start3A_118 : memref<128x4xf32, #tpu.memory_space<vmem>>) offsets(%dma_start3A_121 : memref<128xi32, #tpu.memory_space<vmem>>) semaphore(%arg14 : memref<!tpu.dma_semaphore, #tpu.memory_space<semaphore_mem>>)
        %dma_start3A_125 = arith.constant 10 : i32
        %dma_start3A_126 = arith.constant 1280 : i32
        %dma_start3A_127 = arith.constant 0 : i32
        %dma_start3A_128 = tpu.memref_slice %arg12[%dma_start3A_126, %dma_start3A_127] : memref<3200x4xf32, #tpu.memory_space<vmem>> -> memref<128x4xf32, #tpu.memory_space<vmem>>
        %dma_start3A_129 = arith.constant 0 : i32
        %dma_start3A_130 = tpu.memref_slice %arg10[%dma_start3A_125, %dma_start3A_129] : memref<25x128xi32, #tpu.memory_space<vmem>> -> memref<1x128xi32, #tpu.memory_space<vmem>>
        %dma_start3A_131 = tpu.memref_squeeze %dma_start3A_130 : memref<1x128xi32, #tpu.memory_space<vmem>> -> memref<128xi32, #tpu.memory_space<vmem>>
        %dma_start3A_132 = arith.constant 0 : i32
        %dma_start3A_133 = arith.constant 0 : i32
        %dma_start3A_134 = tpu.memref_slice %arg6[%dma_start3A_132, %dma_start3A_133] : memref<500000x4xf32, #tpu.memory_space<hbm>> -> memref<500000x4xf32, #tpu.memory_space<hbm>>
        tpu.enqueue_indirect_dma source(%dma_start3A_134 : memref<500000x4xf32, #tpu.memory_space<hbm>>) target(%dma_start3A_128 : memref<128x4xf32, #tpu.memory_space<vmem>>) offsets(%dma_start3A_131 : memref<128xi32, #tpu.memory_space<vmem>>) semaphore(%arg14 : memref<!tpu.dma_semaphore, #tpu.memory_space<semaphore_mem>>)
        %dma_start3A_135 = arith.constant 11 : i32
        %dma_start3A_136 = arith.constant 1408 : i32
        %dma_start3A_137 = arith.constant 0 : i32
        %dma_start3A_138 = tpu.memref_slice %arg12[%dma_start3A_136, %dma_start3A_137] : memref<3200x4xf32, #tpu.memory_space<vmem>> -> memref<128x4xf32, #tpu.memory_space<vmem>>
        %dma_start3A_139 = arith.constant 0 : i32
        %dma_start3A_140 = tpu.memref_slice %arg10[%dma_start3A_135, %dma_start3A_139] : memref<25x128xi32, #tpu.memory_space<vmem>> -> memref<1x128xi32, #tpu.memory_space<vmem>>
        %dma_start3A_141 = tpu.memref_squeeze %dma_start3A_140 : memref<1x128xi32, #tpu.memory_space<vmem>> -> memref<128xi32, #tpu.memory_space<vmem>>
        %dma_start3A_142 = arith.constant 0 : i32
        %dma_start3A_143 = arith.constant 0 : i32
        %dma_start3A_144 = tpu.memref_slice %arg6[%dma_start3A_142, %dma_start3A_143] : memref<500000x4xf32, #tpu.memory_space<hbm>> -> memref<500000x4xf32, #tpu.memory_space<hbm>>
        tpu.enqueue_indirect_dma source(%dma_start3A_144 : memref<500000x4xf32, #tpu.memory_space<hbm>>) target(%dma_start3A_138 : memref<128x4xf32, #tpu.memory_space<vmem>>) offsets(%dma_start3A_141 : memref<128xi32, #tpu.memory_space<vmem>>) semaphore(%arg14 : memref<!tpu.dma_semaphore, #tpu.memory_space<semaphore_mem>>)
        %dma_start3A_145 = arith.constant 12 : i32
        %dma_start3A_146 = arith.constant 1536 : i32
        %dma_start3A_147 = arith.constant 0 : i32
        %dma_start3A_148 = tpu.memref_slice %arg12[%dma_start3A_146, %dma_start3A_147] : memref<3200x4xf32, #tpu.memory_space<vmem>> -> memref<128x4xf32, #tpu.memory_space<vmem>>
        %dma_start3A_149 = arith.constant 0 : i32
        %dma_start3A_150 = tpu.memref_slice %arg10[%dma_start3A_145, %dma_start3A_149] : memref<25x128xi32, #tpu.memory_space<vmem>> -> memref<1x128xi32, #tpu.memory_space<vmem>>
        %dma_start3A_151 = tpu.memref_squeeze %dma_start3A_150 : memref<1x128xi32, #tpu.memory_space<vmem>> -> memref<128xi32, #tpu.memory_space<vmem>>
        %dma_start3A_152 = arith.constant 0 : i32
        %dma_start3A_153 = arith.constant 0 : i32
        %dma_start3A_154 = tpu.memref_slice %arg6[%dma_start3A_152, %dma_start3A_153] : memref<500000x4xf32, #tpu.memory_space<hbm>> -> memref<500000x4xf32, #tpu.memory_space<hbm>>
        tpu.enqueue_indirect_dma source(%dma_start3A_154 : memref<500000x4xf32, #tpu.memory_space<hbm>>) target(%dma_start3A_148 : memref<128x4xf32, #tpu.memory_space<vmem>>) offsets(%dma_start3A_151 : memref<128xi32, #tpu.memory_space<vmem>>) semaphore(%arg14 : memref<!tpu.dma_semaphore, #tpu.memory_space<semaphore_mem>>)
        %dma_start3A_155 = arith.constant 13 : i32
        %dma_start3A_156 = arith.constant 1664 : i32
        %dma_start3A_157 = arith.constant 0 : i32
        %dma_start3A_158 = tpu.memref_slice %arg12[%dma_start3A_156, %dma_start3A_157] : memref<3200x4xf32, #tpu.memory_space<vmem>> -> memref<128x4xf32, #tpu.memory_space<vmem>>
        %dma_start3A_159 = arith.constant 0 : i32
        %dma_start3A_160 = tpu.memref_slice %arg10[%dma_start3A_155, %dma_start3A_159] : memref<25x128xi32, #tpu.memory_space<vmem>> -> memref<1x128xi32, #tpu.memory_space<vmem>>
        %dma_start3A_161 = tpu.memref_squeeze %dma_start3A_160 : memref<1x128xi32, #tpu.memory_space<vmem>> -> memref<128xi32, #tpu.memory_space<vmem>>
        %dma_start3A_162 = arith.constant 0 : i32
        %dma_start3A_163 = arith.constant 0 : i32
        %dma_start3A_164 = tpu.memref_slice %arg6[%dma_start3A_162, %dma_start3A_163] : memref<500000x4xf32, #tpu.memory_space<hbm>> -> memref<500000x4xf32, #tpu.memory_space<hbm>>
        tpu.enqueue_indirect_dma source(%dma_start3A_164 : memref<500000x4xf32, #tpu.memory_space<hbm>>) target(%dma_start3A_158 : memref<128x4xf32, #tpu.memory_space<vmem>>) offsets(%dma_start3A_161 : memref<128xi32, #tpu.memory_space<vmem>>) semaphore(%arg14 : memref<!tpu.dma_semaphore, #tpu.memory_space<semaphore_mem>>)
        %dma_start3A_165 = arith.constant 14 : i32
        %dma_start3A_166 = arith.constant 1792 : i32
        %dma_start3A_167 = arith.constant 0 : i32
        %dma_start3A_168 = tpu.memref_slice %arg12[%dma_start3A_166, %dma_start3A_167] : memref<3200x4xf32, #tpu.memory_space<vmem>> -> memref<128x4xf32, #tpu.memory_space<vmem>>
        %dma_start3A_169 = arith.constant 0 : i32
        %dma_start3A_170 = tpu.memref_slice %arg10[%dma_start3A_165, %dma_start3A_169] : memref<25x128xi32, #tpu.memory_space<vmem>> -> memref<1x128xi32, #tpu.memory_space<vmem>>
        %dma_start3A_171 = tpu.memref_squeeze %dma_start3A_170 : memref<1x128xi32, #tpu.memory_space<vmem>> -> memref<128xi32, #tpu.memory_space<vmem>>
        %dma_start3A_172 = arith.constant 0 : i32
        %dma_start3A_173 = arith.constant 0 : i32
        %dma_start3A_174 = tpu.memref_slice %arg6[%dma_start3A_172, %dma_start3A_173] : memref<500000x4xf32, #tpu.memory_space<hbm>> -> memref<500000x4xf32, #tpu.memory_space<hbm>>
        tpu.enqueue_indirect_dma source(%dma_start3A_174 : memref<500000x4xf32, #tpu.memory_space<hbm>>) target(%dma_start3A_168 : memref<128x4xf32, #tpu.memory_space<vmem>>) offsets(%dma_start3A_171 : memref<128xi32, #tpu.memory_space<vmem>>) semaphore(%arg14 : memref<!tpu.dma_semaphore, #tpu.memory_space<semaphore_mem>>)
        %dma_start3A_175 = arith.constant 15 : i32
        %dma_start3A_176 = arith.constant 1920 : i32
        %dma_start3A_177 = arith.constant 0 : i32
        %dma_start3A_178 = tpu.memref_slice %arg12[%dma_start3A_176, %dma_start3A_177] : memref<3200x4xf32, #tpu.memory_space<vmem>> -> memref<128x4xf32, #tpu.memory_space<vmem>>
        %dma_start3A_179 = arith.constant 0 : i32
        %dma_start3A_180 = tpu.memref_slice %arg10[%dma_start3A_175, %dma_start3A_179] : memref<25x128xi32, #tpu.memory_space<vmem>> -> memref<1x128xi32, #tpu.memory_space<vmem>>
        %dma_start3A_181 = tpu.memref_squeeze %dma_start3A_180 : memref<1x128xi32, #tpu.memory_space<vmem>> -> memref<128xi32, #tpu.memory_space<vmem>>
        %dma_start3A_182 = arith.constant 0 : i32
        %dma_start3A_183 = arith.constant 0 : i32
        %dma_start3A_184 = tpu.memref_slice %arg6[%dma_start3A_182, %dma_start3A_183] : memref<500000x4xf32, #tpu.memory_space<hbm>> -> memref<500000x4xf32, #tpu.memory_space<hbm>>
        tpu.enqueue_indirect_dma source(%dma_start3A_184 : memref<500000x4xf32, #tpu.memory_space<hbm>>) target(%dma_start3A_178 : memref<128x4xf32, #tpu.memory_space<vmem>>) offsets(%dma_start3A_181 : memref<128xi32, #tpu.memory_space<vmem>>) semaphore(%arg14 : memref<!tpu.dma_semaphore, #tpu.memory_space<semaphore_mem>>)
        %dma_start3A_185 = arith.constant 16 : i32
        %dma_start3A_186 = arith.constant 2048 : i32
        %dma_start3A_187 = arith.constant 0 : i32
        %dma_start3A_188 = tpu.memref_slice %arg12[%dma_start3A_186, %dma_start3A_187] : memref<3200x4xf32, #tpu.memory_space<vmem>> -> memref<128x4xf32, #tpu.memory_space<vmem>>
        %dma_start3A_189 = arith.constant 0 : i32
        %dma_start3A_190 = tpu.memref_slice %arg10[%dma_start3A_185, %dma_start3A_189] : memref<25x128xi32, #tpu.memory_space<vmem>> -> memref<1x128xi32, #tpu.memory_space<vmem>>
        %dma_start3A_191 = tpu.memref_squeeze %dma_start3A_190 : memref<1x128xi32, #tpu.memory_space<vmem>> -> memref<128xi32, #tpu.memory_space<vmem>>
        %dma_start3A_192 = arith.constant 0 : i32
        %dma_start3A_193 = arith.constant 0 : i32
        %dma_start3A_194 = tpu.memref_slice %arg6[%dma_start3A_192, %dma_start3A_193] : memref<500000x4xf32, #tpu.memory_space<hbm>> -> memref<500000x4xf32, #tpu.memory_space<hbm>>
        tpu.enqueue_indirect_dma source(%dma_start3A_194 : memref<500000x4xf32, #tpu.memory_space<hbm>>) target(%dma_start3A_188 : memref<128x4xf32, #tpu.memory_space<vmem>>) offsets(%dma_start3A_191 : memref<128xi32, #tpu.memory_space<vmem>>) semaphore(%arg14 : memref<!tpu.dma_semaphore, #tpu.memory_space<semaphore_mem>>)
        %dma_start3A_195 = arith.constant 17 : i32
        %dma_start3A_196 = arith.constant 2176 : i32
        %dma_start3A_197 = arith.constant 0 : i32
        %dma_start3A_198 = tpu.memref_slice %arg12[%dma_start3A_196, %dma_start3A_197] : memref<3200x4xf32, #tpu.memory_space<vmem>> -> memref<128x4xf32, #tpu.memory_space<vmem>>
        %dma_start3A_199 = arith.constant 0 : i32
        %dma_start3A_200 = tpu.memref_slice %arg10[%dma_start3A_195, %dma_start3A_199] : memref<25x128xi32, #tpu.memory_space<vmem>> -> memref<1x128xi32, #tpu.memory_space<vmem>>
        %dma_start3A_201 = tpu.memref_squeeze %dma_start3A_200 : memref<1x128xi32, #tpu.memory_space<vmem>> -> memref<128xi32, #tpu.memory_space<vmem>>
        %dma_start3A_202 = arith.constant 0 : i32
        %dma_start3A_203 = arith.constant 0 : i32
        %dma_start3A_204 = tpu.memref_slice %arg6[%dma_start3A_202, %dma_start3A_203] : memref<500000x4xf32, #tpu.memory_space<hbm>> -> memref<500000x4xf32, #tpu.memory_space<hbm>>
        tpu.enqueue_indirect_dma source(%dma_start3A_204 : memref<500000x4xf32, #tpu.memory_space<hbm>>) target(%dma_start3A_198 : memref<128x4xf32, #tpu.memory_space<vmem>>) offsets(%dma_start3A_201 : memref<128xi32, #tpu.memory_space<vmem>>) semaphore(%arg14 : memref<!tpu.dma_semaphore, #tpu.memory_space<semaphore_mem>>)
        %dma_start3A_205 = arith.constant 18 : i32
        %dma_start3A_206 = arith.constant 2304 : i32
        %dma_start3A_207 = arith.constant 0 : i32
        %dma_start3A_208 = tpu.memref_slice %arg12[%dma_start3A_206, %dma_start3A_207] : memref<3200x4xf32, #tpu.memory_space<vmem>> -> memref<128x4xf32, #tpu.memory_space<vmem>>
        %dma_start3A_209 = arith.constant 0 : i32
        %dma_start3A_210 = tpu.memref_slice %arg10[%dma_start3A_205, %dma_start3A_209] : memref<25x128xi32, #tpu.memory_space<vmem>> -> memref<1x128xi32, #tpu.memory_space<vmem>>
        %dma_start3A_211 = tpu.memref_squeeze %dma_start3A_210 : memref<1x128xi32, #tpu.memory_space<vmem>> -> memref<128xi32, #tpu.memory_space<vmem>>
        %dma_start3A_212 = arith.constant 0 : i32
        %dma_start3A_213 = arith.constant 0 : i32
        %dma_start3A_214 = tpu.memref_slice %arg6[%dma_start3A_212, %dma_start3A_213] : memref<500000x4xf32, #tpu.memory_space<hbm>> -> memref<500000x4xf32, #tpu.memory_space<hbm>>
        tpu.enqueue_indirect_dma source(%dma_start3A_214 : memref<500000x4xf32, #tpu.memory_space<hbm>>) target(%dma_start3A_208 : memref<128x4xf32, #tpu.memory_space<vmem>>) offsets(%dma_start3A_211 : memref<128xi32, #tpu.memory_space<vmem>>) semaphore(%arg14 : memref<!tpu.dma_semaphore, #tpu.memory_space<semaphore_mem>>)
        %dma_start3A_215 = arith.constant 19 : i32
        %dma_start3A_216 = arith.constant 2432 : i32
        %dma_start3A_217 = arith.constant 0 : i32
        %dma_start3A_218 = tpu.memref_slice %arg12[%dma_start3A_216, %dma_start3A_217] : memref<3200x4xf32, #tpu.memory_space<vmem>> -> memref<128x4xf32, #tpu.memory_space<vmem>>
        %dma_start3A_219 = arith.constant 0 : i32
        %dma_start3A_220 = tpu.memref_slice %arg10[%dma_start3A_215, %dma_start3A_219] : memref<25x128xi32, #tpu.memory_space<vmem>> -> memref<1x128xi32, #tpu.memory_space<vmem>>
        %dma_start3A_221 = tpu.memref_squeeze %dma_start3A_220 : memref<1x128xi32, #tpu.memory_space<vmem>> -> memref<128xi32, #tpu.memory_space<vmem>>
        %dma_start3A_222 = arith.constant 0 : i32
        %dma_start3A_223 = arith.constant 0 : i32
        %dma_start3A_224 = tpu.memref_slice %arg6[%dma_start3A_222, %dma_start3A_223] : memref<500000x4xf32, #tpu.memory_space<hbm>> -> memref<500000x4xf32, #tpu.memory_space<hbm>>
        tpu.enqueue_indirect_dma source(%dma_start3A_224 : memref<500000x4xf32, #tpu.memory_space<hbm>>) target(%dma_start3A_218 : memref<128x4xf32, #tpu.memory_space<vmem>>) offsets(%dma_start3A_221 : memref<128xi32, #tpu.memory_space<vmem>>) semaphore(%arg14 : memref<!tpu.dma_semaphore, #tpu.memory_space<semaphore_mem>>)
        %dma_start3A_225 = arith.constant 20 : i32
        %dma_start3A_226 = arith.constant 2560 : i32
        %dma_start3A_227 = arith.constant 0 : i32
        %dma_start3A_228 = tpu.memref_slice %arg12[%dma_start3A_226, %dma_start3A_227] : memref<3200x4xf32, #tpu.memory_space<vmem>> -> memref<128x4xf32, #tpu.memory_space<vmem>>
        %dma_start3A_229 = arith.constant 0 : i32
        %dma_start3A_230 = tpu.memref_slice %arg10[%dma_start3A_225, %dma_start3A_229] : memref<25x128xi32, #tpu.memory_space<vmem>> -> memref<1x128xi32, #tpu.memory_space<vmem>>
        %dma_start3A_231 = tpu.memref_squeeze %dma_start3A_230 : memref<1x128xi32, #tpu.memory_space<vmem>> -> memref<128xi32, #tpu.memory_space<vmem>>
        %dma_start3A_232 = arith.constant 0 : i32
        %dma_start3A_233 = arith.constant 0 : i32
        %dma_start3A_234 = tpu.memref_slice %arg6[%dma_start3A_232, %dma_start3A_233] : memref<500000x4xf32, #tpu.memory_space<hbm>> -> memref<500000x4xf32, #tpu.memory_space<hbm>>
        tpu.enqueue_indirect_dma source(%dma_start3A_234 : memref<500000x4xf32, #tpu.memory_space<hbm>>) target(%dma_start3A_228 : memref<128x4xf32, #tpu.memory_space<vmem>>) offsets(%dma_start3A_231 : memref<128xi32, #tpu.memory_space<vmem>>) semaphore(%arg14 : memref<!tpu.dma_semaphore, #tpu.memory_space<semaphore_mem>>)
        %dma_start3A_235 = arith.constant 21 : i32
        %dma_start3A_236 = arith.constant 2688 : i32
        %dma_start3A_237 = arith.constant 0 : i32
        %dma_start3A_238 = tpu.memref_slice %arg12[%dma_start3A_236, %dma_start3A_237] : memref<3200x4xf32, #tpu.memory_space<vmem>> -> memref<128x4xf32, #tpu.memory_space<vmem>>
        %dma_start3A_239 = arith.constant 0 : i32
        %dma_start3A_240 = tpu.memref_slice %arg10[%dma_start3A_235, %dma_start3A_239] : memref<25x128xi32, #tpu.memory_space<vmem>> -> memref<1x128xi32, #tpu.memory_space<vmem>>
        %dma_start3A_241 = tpu.memref_squeeze %dma_start3A_240 : memref<1x128xi32, #tpu.memory_space<vmem>> -> memref<128xi32, #tpu.memory_space<vmem>>
        %dma_start3A_242 = arith.constant 0 : i32
        %dma_start3A_243 = arith.constant 0 : i32
        %dma_start3A_244 = tpu.memref_slice %arg6[%dma_start3A_242, %dma_start3A_243] : memref<500000x4xf32, #tpu.memory_space<hbm>> -> memref<500000x4xf32, #tpu.memory_space<hbm>>
        tpu.enqueue_indirect_dma source(%dma_start3A_244 : memref<500000x4xf32, #tpu.memory_space<hbm>>) target(%dma_start3A_238 : memref<128x4xf32, #tpu.memory_space<vmem>>) offsets(%dma_start3A_241 : memref<128xi32, #tpu.memory_space<vmem>>) semaphore(%arg14 : memref<!tpu.dma_semaphore, #tpu.memory_space<semaphore_mem>>)
        %dma_start3A_245 = arith.constant 22 : i32
        %dma_start3A_246 = arith.constant 2816 : i32
        %dma_start3A_247 = arith.constant 0 : i32
        %dma_start3A_248 = tpu.memref_slice %arg12[%dma_start3A_246, %dma_start3A_247] : memref<3200x4xf32, #tpu.memory_space<vmem>> -> memref<128x4xf32, #tpu.memory_space<vmem>>
        %dma_start3A_249 = arith.constant 0 : i32
        %dma_start3A_250 = tpu.memref_slice %arg10[%dma_start3A_245, %dma_start3A_249] : memref<25x128xi32, #tpu.memory_space<vmem>> -> memref<1x128xi32, #tpu.memory_space<vmem>>
        %dma_start3A_251 = tpu.memref_squeeze %dma_start3A_250 : memref<1x128xi32, #tpu.memory_space<vmem>> -> memref<128xi32, #tpu.memory_space<vmem>>
        %dma_start3A_252 = arith.constant 0 : i32
        %dma_start3A_253 = arith.constant 0 : i32
        %dma_start3A_254 = tpu.memref_slice %arg6[%dma_start3A_252, %dma_start3A_253] : memref<500000x4xf32, #tpu.memory_space<hbm>> -> memref<500000x4xf32, #tpu.memory_space<hbm>>
        tpu.enqueue_indirect_dma source(%dma_start3A_254 : memref<500000x4xf32, #tpu.memory_space<hbm>>) target(%dma_start3A_248 : memref<128x4xf32, #tpu.memory_space<vmem>>) offsets(%dma_start3A_251 : memref<128xi32, #tpu.memory_space<vmem>>) semaphore(%arg14 : memref<!tpu.dma_semaphore, #tpu.memory_space<semaphore_mem>>)
        %dma_start3A_255 = arith.constant 23 : i32
        %dma_start3A_256 = arith.constant 2944 : i32
        %dma_start3A_257 = arith.constant 0 : i32
        %dma_start3A_258 = tpu.memref_slice %arg12[%dma_start3A_256, %dma_start3A_257] : memref<3200x4xf32, #tpu.memory_space<vmem>> -> memref<128x4xf32, #tpu.memory_space<vmem>>
        %dma_start3A_259 = arith.constant 0 : i32
        %dma_start3A_260 = tpu.memref_slice %arg10[%dma_start3A_255, %dma_start3A_259] : memref<25x128xi32, #tpu.memory_space<vmem>> -> memref<1x128xi32, #tpu.memory_space<vmem>>
        %dma_start3A_261 = tpu.memref_squeeze %dma_start3A_260 : memref<1x128xi32, #tpu.memory_space<vmem>> -> memref<128xi32, #tpu.memory_space<vmem>>
        %dma_start3A_262 = arith.constant 0 : i32
        %dma_start3A_263 = arith.constant 0 : i32
        %dma_start3A_264 = tpu.memref_slice %arg6[%dma_start3A_262, %dma_start3A_263] : memref<500000x4xf32, #tpu.memory_space<hbm>> -> memref<500000x4xf32, #tpu.memory_space<hbm>>
        tpu.enqueue_indirect_dma source(%dma_start3A_264 : memref<500000x4xf32, #tpu.memory_space<hbm>>) target(%dma_start3A_258 : memref<128x4xf32, #tpu.memory_space<vmem>>) offsets(%dma_start3A_261 : memref<128xi32, #tpu.memory_space<vmem>>) semaphore(%arg14 : memref<!tpu.dma_semaphore, #tpu.memory_space<semaphore_mem>>)
        %dma_start3A_265 = arith.constant 24 : i32
        %dma_start3A_266 = arith.constant 3072 : i32
        %dma_start3A_267 = arith.constant 0 : i32
        %dma_start3A_268 = tpu.memref_slice %arg12[%dma_start3A_266, %dma_start3A_267] : memref<3200x4xf32, #tpu.memory_space<vmem>> -> memref<128x4xf32, #tpu.memory_space<vmem>>
        %dma_start3A_269 = arith.constant 0 : i32
        %dma_start3A_270 = tpu.memref_slice %arg10[%dma_start3A_265, %dma_start3A_269] : memref<25x128xi32, #tpu.memory_space<vmem>> -> memref<1x128xi32, #tpu.memory_space<vmem>>
        %dma_start3A_271 = tpu.memref_squeeze %dma_start3A_270 : memref<1x128xi32, #tpu.memory_space<vmem>> -> memref<128xi32, #tpu.memory_space<vmem>>
        %dma_start3A_272 = arith.constant 0 : i32
        %dma_start3A_273 = arith.constant 0 : i32
        %dma_start3A_274 = tpu.memref_slice %arg6[%dma_start3A_272, %dma_start3A_273] : memref<500000x4xf32, #tpu.memory_space<hbm>> -> memref<500000x4xf32, #tpu.memory_space<hbm>>
        tpu.enqueue_indirect_dma source(%dma_start3A_274 : memref<500000x4xf32, #tpu.memory_space<hbm>>) target(%dma_start3A_268 : memref<128x4xf32, #tpu.memory_space<vmem>>) offsets(%dma_start3A_271 : memref<128xi32, #tpu.memory_space<vmem>>) semaphore(%arg14 : memref<!tpu.dma_semaphore, #tpu.memory_space<semaphore_mem>>)
        %dma_wait3A = arith.constant 0 : i32
        %dma_wait3A_275 = arith.constant 0 : i32
        %dma_wait3A_276 = arith.constant 0 : i32
        %dma_wait3A_277 = tpu.memref_slice %arg12[%dma_wait3A_275, %dma_wait3A_276] : memref<3200x4xf32, #tpu.memory_space<vmem>> -> memref<128x4xf32, #tpu.memory_space<vmem>>
        %dma_wait3A_278 = arith.constant 0 : i32
        %dma_wait3A_279 = tpu.memref_slice %arg10[%dma_wait3A, %dma_wait3A_278] : memref<25x128xi32, #tpu.memory_space<vmem>> -> memref<1x128xi32, #tpu.memory_space<vmem>>
        %dma_wait3A_280 = tpu.memref_squeeze %dma_wait3A_279 : memref<1x128xi32, #tpu.memory_space<vmem>> -> memref<128xi32, #tpu.memory_space<vmem>>
        %dma_wait3A_281 = arith.constant 0 : i32
        %dma_wait3A_282 = arith.constant 0 : i32
        %dma_wait3A_283 = tpu.memref_slice %arg6[%dma_wait3A_281, %dma_wait3A_282] : memref<500000x4xf32, #tpu.memory_space<hbm>> -> memref<500000x4xf32, #tpu.memory_space<hbm>>
        tpu.wait_indirect_dma semaphore(%arg14 : memref<!tpu.dma_semaphore, #tpu.memory_space<semaphore_mem>>) src(%dma_wait3A_283 : memref<500000x4xf32, #tpu.memory_space<hbm>>) dst(%dma_wait3A_277 : memref<128x4xf32, #tpu.memory_space<vmem>>)
        %dma_wait3A_284 = arith.constant 1 : i32
        %dma_wait3A_285 = arith.constant 128 : i32
        %dma_wait3A_286 = arith.constant 0 : i32
        %dma_wait3A_287 = tpu.memref_slice %arg12[%dma_wait3A_285, %dma_wait3A_286] : memref<3200x4xf32, #tpu.memory_space<vmem>> -> memref<128x4xf32, #tpu.memory_space<vmem>>
        %dma_wait3A_288 = arith.constant 0 : i32
        %dma_wait3A_289 = tpu.memref_slice %arg10[%dma_wait3A_284, %dma_wait3A_288] : memref<25x128xi32, #tpu.memory_space<vmem>> -> memref<1x128xi32, #tpu.memory_space<vmem>>
        %dma_wait3A_290 = tpu.memref_squeeze %dma_wait3A_289 : memref<1x128xi32, #tpu.memory_space<vmem>> -> memref<128xi32, #tpu.memory_space<vmem>>
        %dma_wait3A_291 = arith.constant 0 : i32
        %dma_wait3A_292 = arith.constant 0 : i32
        %dma_wait3A_293 = tpu.memref_slice %arg6[%dma_wait3A_291, %dma_wait3A_292] : memref<500000x4xf32, #tpu.memory_space<hbm>> -> memref<500000x4xf32, #tpu.memory_space<hbm>>
        tpu.wait_indirect_dma semaphore(%arg14 : memref<!tpu.dma_semaphore, #tpu.memory_space<semaphore_mem>>) src(%dma_wait3A_293 : memref<500000x4xf32, #tpu.memory_space<hbm>>) dst(%dma_wait3A_287 : memref<128x4xf32, #tpu.memory_space<vmem>>)
        %dma_wait3A_294 = arith.constant 2 : i32
        %dma_wait3A_295 = arith.constant 256 : i32
        %dma_wait3A_296 = arith.constant 0 : i32
        %dma_wait3A_297 = tpu.memref_slice %arg12[%dma_wait3A_295, %dma_wait3A_296] : memref<3200x4xf32, #tpu.memory_space<vmem>> -> memref<128x4xf32, #tpu.memory_space<vmem>>
        %dma_wait3A_298 = arith.constant 0 : i32
        %dma_wait3A_299 = tpu.memref_slice %arg10[%dma_wait3A_294, %dma_wait3A_298] : memref<25x128xi32, #tpu.memory_space<vmem>> -> memref<1x128xi32, #tpu.memory_space<vmem>>
        %dma_wait3A_300 = tpu.memref_squeeze %dma_wait3A_299 : memref<1x128xi32, #tpu.memory_space<vmem>> -> memref<128xi32, #tpu.memory_space<vmem>>
        %dma_wait3A_301 = arith.constant 0 : i32
        %dma_wait3A_302 = arith.constant 0 : i32
        %dma_wait3A_303 = tpu.memref_slice %arg6[%dma_wait3A_301, %dma_wait3A_302] : memref<500000x4xf32, #tpu.memory_space<hbm>> -> memref<500000x4xf32, #tpu.memory_space<hbm>>
        tpu.wait_indirect_dma semaphore(%arg14 : memref<!tpu.dma_semaphore, #tpu.memory_space<semaphore_mem>>) src(%dma_wait3A_303 : memref<500000x4xf32, #tpu.memory_space<hbm>>) dst(%dma_wait3A_297 : memref<128x4xf32, #tpu.memory_space<vmem>>)
        %dma_wait3A_304 = arith.constant 3 : i32
        %dma_wait3A_305 = arith.constant 384 : i32
        %dma_wait3A_306 = arith.constant 0 : i32
        %dma_wait3A_307 = tpu.memref_slice %arg12[%dma_wait3A_305, %dma_wait3A_306] : memref<3200x4xf32, #tpu.memory_space<vmem>> -> memref<128x4xf32, #tpu.memory_space<vmem>>
        %dma_wait3A_308 = arith.constant 0 : i32
        %dma_wait3A_309 = tpu.memref_slice %arg10[%dma_wait3A_304, %dma_wait3A_308] : memref<25x128xi32, #tpu.memory_space<vmem>> -> memref<1x128xi32, #tpu.memory_space<vmem>>
        %dma_wait3A_310 = tpu.memref_squeeze %dma_wait3A_309 : memref<1x128xi32, #tpu.memory_space<vmem>> -> memref<128xi32, #tpu.memory_space<vmem>>
        %dma_wait3A_311 = arith.constant 0 : i32
        %dma_wait3A_312 = arith.constant 0 : i32
        %dma_wait3A_313 = tpu.memref_slice %arg6[%dma_wait3A_311, %dma_wait3A_312] : memref<500000x4xf32, #tpu.memory_space<hbm>> -> memref<500000x4xf32, #tpu.memory_space<hbm>>
        tpu.wait_indirect_dma semaphore(%arg14 : memref<!tpu.dma_semaphore, #tpu.memory_space<semaphore_mem>>) src(%dma_wait3A_313 : memref<500000x4xf32, #tpu.memory_space<hbm>>) dst(%dma_wait3A_307 : memref<128x4xf32, #tpu.memory_space<vmem>>)
        %dma_wait3A_314 = arith.constant 4 : i32
        %dma_wait3A_315 = arith.constant 512 : i32
        %dma_wait3A_316 = arith.constant 0 : i32
        %dma_wait3A_317 = tpu.memref_slice %arg12[%dma_wait3A_315, %dma_wait3A_316] : memref<3200x4xf32, #tpu.memory_space<vmem>> -> memref<128x4xf32, #tpu.memory_space<vmem>>
        %dma_wait3A_318 = arith.constant 0 : i32
        %dma_wait3A_319 = tpu.memref_slice %arg10[%dma_wait3A_314, %dma_wait3A_318] : memref<25x128xi32, #tpu.memory_space<vmem>> -> memref<1x128xi32, #tpu.memory_space<vmem>>
        %dma_wait3A_320 = tpu.memref_squeeze %dma_wait3A_319 : memref<1x128xi32, #tpu.memory_space<vmem>> -> memref<128xi32, #tpu.memory_space<vmem>>
        %dma_wait3A_321 = arith.constant 0 : i32
        %dma_wait3A_322 = arith.constant 0 : i32
        %dma_wait3A_323 = tpu.memref_slice %arg6[%dma_wait3A_321, %dma_wait3A_322] : memref<500000x4xf32, #tpu.memory_space<hbm>> -> memref<500000x4xf32, #tpu.memory_space<hbm>>
        tpu.wait_indirect_dma semaphore(%arg14 : memref<!tpu.dma_semaphore, #tpu.memory_space<semaphore_mem>>) src(%dma_wait3A_323 : memref<500000x4xf32, #tpu.memory_space<hbm>>) dst(%dma_wait3A_317 : memref<128x4xf32, #tpu.memory_space<vmem>>)
        %dma_wait3A_324 = arith.constant 5 : i32
        %dma_wait3A_325 = arith.constant 640 : i32
        %dma_wait3A_326 = arith.constant 0 : i32
        %dma_wait3A_327 = tpu.memref_slice %arg12[%dma_wait3A_325, %dma_wait3A_326] : memref<3200x4xf32, #tpu.memory_space<vmem>> -> memref<128x4xf32, #tpu.memory_space<vmem>>
        %dma_wait3A_328 = arith.constant 0 : i32
        %dma_wait3A_329 = tpu.memref_slice %arg10[%dma_wait3A_324, %dma_wait3A_328] : memref<25x128xi32, #tpu.memory_space<vmem>> -> memref<1x128xi32, #tpu.memory_space<vmem>>
        %dma_wait3A_330 = tpu.memref_squeeze %dma_wait3A_329 : memref<1x128xi32, #tpu.memory_space<vmem>> -> memref<128xi32, #tpu.memory_space<vmem>>
        %dma_wait3A_331 = arith.constant 0 : i32
        %dma_wait3A_332 = arith.constant 0 : i32
        %dma_wait3A_333 = tpu.memref_slice %arg6[%dma_wait3A_331, %dma_wait3A_332] : memref<500000x4xf32, #tpu.memory_space<hbm>> -> memref<500000x4xf32, #tpu.memory_space<hbm>>
        tpu.wait_indirect_dma semaphore(%arg14 : memref<!tpu.dma_semaphore, #tpu.memory_space<semaphore_mem>>) src(%dma_wait3A_333 : memref<500000x4xf32, #tpu.memory_space<hbm>>) dst(%dma_wait3A_327 : memref<128x4xf32, #tpu.memory_space<vmem>>)
        %dma_wait3A_334 = arith.constant 6 : i32
        %dma_wait3A_335 = arith.constant 768 : i32
        %dma_wait3A_336 = arith.constant 0 : i32
        %dma_wait3A_337 = tpu.memref_slice %arg12[%dma_wait3A_335, %dma_wait3A_336] : memref<3200x4xf32, #tpu.memory_space<vmem>> -> memref<128x4xf32, #tpu.memory_space<vmem>>
        %dma_wait3A_338 = arith.constant 0 : i32
        %dma_wait3A_339 = tpu.memref_slice %arg10[%dma_wait3A_334, %dma_wait3A_338] : memref<25x128xi32, #tpu.memory_space<vmem>> -> memref<1x128xi32, #tpu.memory_space<vmem>>
        %dma_wait3A_340 = tpu.memref_squeeze %dma_wait3A_339 : memref<1x128xi32, #tpu.memory_space<vmem>> -> memref<128xi32, #tpu.memory_space<vmem>>
        %dma_wait3A_341 = arith.constant 0 : i32
        %dma_wait3A_342 = arith.constant 0 : i32
        %dma_wait3A_343 = tpu.memref_slice %arg6[%dma_wait3A_341, %dma_wait3A_342] : memref<500000x4xf32, #tpu.memory_space<hbm>> -> memref<500000x4xf32, #tpu.memory_space<hbm>>
        tpu.wait_indirect_dma semaphore(%arg14 : memref<!tpu.dma_semaphore, #tpu.memory_space<semaphore_mem>>) src(%dma_wait3A_343 : memref<500000x4xf32, #tpu.memory_space<hbm>>) dst(%dma_wait3A_337 : memref<128x4xf32, #tpu.memory_space<vmem>>)
        %dma_wait3A_344 = arith.constant 7 : i32
        %dma_wait3A_345 = arith.constant 896 : i32
        %dma_wait3A_346 = arith.constant 0 : i32
        %dma_wait3A_347 = tpu.memref_slice %arg12[%dma_wait3A_345, %dma_wait3A_346] : memref<3200x4xf32, #tpu.memory_space<vmem>> -> memref<128x4xf32, #tpu.memory_space<vmem>>
        %dma_wait3A_348 = arith.constant 0 : i32
        %dma_wait3A_349 = tpu.memref_slice %arg10[%dma_wait3A_344, %dma_wait3A_348] : memref<25x128xi32, #tpu.memory_space<vmem>> -> memref<1x128xi32, #tpu.memory_space<vmem>>
        %dma_wait3A_350 = tpu.memref_squeeze %dma_wait3A_349 : memref<1x128xi32, #tpu.memory_space<vmem>> -> memref<128xi32, #tpu.memory_space<vmem>>
        %dma_wait3A_351 = arith.constant 0 : i32
        %dma_wait3A_352 = arith.constant 0 : i32
        %dma_wait3A_353 = tpu.memref_slice %arg6[%dma_wait3A_351, %dma_wait3A_352] : memref<500000x4xf32, #tpu.memory_space<hbm>> -> memref<500000x4xf32, #tpu.memory_space<hbm>>
        tpu.wait_indirect_dma semaphore(%arg14 : memref<!tpu.dma_semaphore, #tpu.memory_space<semaphore_mem>>) src(%dma_wait3A_353 : memref<500000x4xf32, #tpu.memory_space<hbm>>) dst(%dma_wait3A_347 : memref<128x4xf32, #tpu.memory_space<vmem>>)
        %dma_wait3A_354 = arith.constant 8 : i32
        %dma_wait3A_355 = arith.constant 1024 : i32
        %dma_wait3A_356 = arith.constant 0 : i32
        %dma_wait3A_357 = tpu.memref_slice %arg12[%dma_wait3A_355, %dma_wait3A_356] : memref<3200x4xf32, #tpu.memory_space<vmem>> -> memref<128x4xf32, #tpu.memory_space<vmem>>
        %dma_wait3A_358 = arith.constant 0 : i32
        %dma_wait3A_359 = tpu.memref_slice %arg10[%dma_wait3A_354, %dma_wait3A_358] : memref<25x128xi32, #tpu.memory_space<vmem>> -> memref<1x128xi32, #tpu.memory_space<vmem>>
        %dma_wait3A_360 = tpu.memref_squeeze %dma_wait3A_359 : memref<1x128xi32, #tpu.memory_space<vmem>> -> memref<128xi32, #tpu.memory_space<vmem>>
        %dma_wait3A_361 = arith.constant 0 : i32
        %dma_wait3A_362 = arith.constant 0 : i32
        %dma_wait3A_363 = tpu.memref_slice %arg6[%dma_wait3A_361, %dma_wait3A_362] : memref<500000x4xf32, #tpu.memory_space<hbm>> -> memref<500000x4xf32, #tpu.memory_space<hbm>>
        tpu.wait_indirect_dma semaphore(%arg14 : memref<!tpu.dma_semaphore, #tpu.memory_space<semaphore_mem>>) src(%dma_wait3A_363 : memref<500000x4xf32, #tpu.memory_space<hbm>>) dst(%dma_wait3A_357 : memref<128x4xf32, #tpu.memory_space<vmem>>)
        %dma_wait3A_364 = arith.constant 9 : i32
        %dma_wait3A_365 = arith.constant 1152 : i32
        %dma_wait3A_366 = arith.constant 0 : i32
        %dma_wait3A_367 = tpu.memref_slice %arg12[%dma_wait3A_365, %dma_wait3A_366] : memref<3200x4xf32, #tpu.memory_space<vmem>> -> memref<128x4xf32, #tpu.memory_space<vmem>>
        %dma_wait3A_368 = arith.constant 0 : i32
        %dma_wait3A_369 = tpu.memref_slice %arg10[%dma_wait3A_364, %dma_wait3A_368] : memref<25x128xi32, #tpu.memory_space<vmem>> -> memref<1x128xi32, #tpu.memory_space<vmem>>
        %dma_wait3A_370 = tpu.memref_squeeze %dma_wait3A_369 : memref<1x128xi32, #tpu.memory_space<vmem>> -> memref<128xi32, #tpu.memory_space<vmem>>
        %dma_wait3A_371 = arith.constant 0 : i32
        %dma_wait3A_372 = arith.constant 0 : i32
        %dma_wait3A_373 = tpu.memref_slice %arg6[%dma_wait3A_371, %dma_wait3A_372] : memref<500000x4xf32, #tpu.memory_space<hbm>> -> memref<500000x4xf32, #tpu.memory_space<hbm>>
        tpu.wait_indirect_dma semaphore(%arg14 : memref<!tpu.dma_semaphore, #tpu.memory_space<semaphore_mem>>) src(%dma_wait3A_373 : memref<500000x4xf32, #tpu.memory_space<hbm>>) dst(%dma_wait3A_367 : memref<128x4xf32, #tpu.memory_space<vmem>>)
        %dma_wait3A_374 = arith.constant 10 : i32
        %dma_wait3A_375 = arith.constant 1280 : i32
        %dma_wait3A_376 = arith.constant 0 : i32
        %dma_wait3A_377 = tpu.memref_slice %arg12[%dma_wait3A_375, %dma_wait3A_376] : memref<3200x4xf32, #tpu.memory_space<vmem>> -> memref<128x4xf32, #tpu.memory_space<vmem>>
        %dma_wait3A_378 = arith.constant 0 : i32
        %dma_wait3A_379 = tpu.memref_slice %arg10[%dma_wait3A_374, %dma_wait3A_378] : memref<25x128xi32, #tpu.memory_space<vmem>> -> memref<1x128xi32, #tpu.memory_space<vmem>>
        %dma_wait3A_380 = tpu.memref_squeeze %dma_wait3A_379 : memref<1x128xi32, #tpu.memory_space<vmem>> -> memref<128xi32, #tpu.memory_space<vmem>>
        %dma_wait3A_381 = arith.constant 0 : i32
        %dma_wait3A_382 = arith.constant 0 : i32
        %dma_wait3A_383 = tpu.memref_slice %arg6[%dma_wait3A_381, %dma_wait3A_382] : memref<500000x4xf32, #tpu.memory_space<hbm>> -> memref<500000x4xf32, #tpu.memory_space<hbm>>
        tpu.wait_indirect_dma semaphore(%arg14 : memref<!tpu.dma_semaphore, #tpu.memory_space<semaphore_mem>>) src(%dma_wait3A_383 : memref<500000x4xf32, #tpu.memory_space<hbm>>) dst(%dma_wait3A_377 : memref<128x4xf32, #tpu.memory_space<vmem>>)
        %dma_wait3A_384 = arith.constant 11 : i32
        %dma_wait3A_385 = arith.constant 1408 : i32
        %dma_wait3A_386 = arith.constant 0 : i32
        %dma_wait3A_387 = tpu.memref_slice %arg12[%dma_wait3A_385, %dma_wait3A_386] : memref<3200x4xf32, #tpu.memory_space<vmem>> -> memref<128x4xf32, #tpu.memory_space<vmem>>
        %dma_wait3A_388 = arith.constant 0 : i32
        %dma_wait3A_389 = tpu.memref_slice %arg10[%dma_wait3A_384, %dma_wait3A_388] : memref<25x128xi32, #tpu.memory_space<vmem>> -> memref<1x128xi32, #tpu.memory_space<vmem>>
        %dma_wait3A_390 = tpu.memref_squeeze %dma_wait3A_389 : memref<1x128xi32, #tpu.memory_space<vmem>> -> memref<128xi32, #tpu.memory_space<vmem>>
        %dma_wait3A_391 = arith.constant 0 : i32
        %dma_wait3A_392 = arith.constant 0 : i32
        %dma_wait3A_393 = tpu.memref_slice %arg6[%dma_wait3A_391, %dma_wait3A_392] : memref<500000x4xf32, #tpu.memory_space<hbm>> -> memref<500000x4xf32, #tpu.memory_space<hbm>>
        tpu.wait_indirect_dma semaphore(%arg14 : memref<!tpu.dma_semaphore, #tpu.memory_space<semaphore_mem>>) src(%dma_wait3A_393 : memref<500000x4xf32, #tpu.memory_space<hbm>>) dst(%dma_wait3A_387 : memref<128x4xf32, #tpu.memory_space<vmem>>)
        %dma_wait3A_394 = arith.constant 12 : i32
        %dma_wait3A_395 = arith.constant 1536 : i32
        %dma_wait3A_396 = arith.constant 0 : i32
        %dma_wait3A_397 = tpu.memref_slice %arg12[%dma_wait3A_395, %dma_wait3A_396] : memref<3200x4xf32, #tpu.memory_space<vmem>> -> memref<128x4xf32, #tpu.memory_space<vmem>>
        %dma_wait3A_398 = arith.constant 0 : i32
        %dma_wait3A_399 = tpu.memref_slice %arg10[%dma_wait3A_394, %dma_wait3A_398] : memref<25x128xi32, #tpu.memory_space<vmem>> -> memref<1x128xi32, #tpu.memory_space<vmem>>
        %dma_wait3A_400 = tpu.memref_squeeze %dma_wait3A_399 : memref<1x128xi32, #tpu.memory_space<vmem>> -> memref<128xi32, #tpu.memory_space<vmem>>
        %dma_wait3A_401 = arith.constant 0 : i32
        %dma_wait3A_402 = arith.constant 0 : i32
        %dma_wait3A_403 = tpu.memref_slice %arg6[%dma_wait3A_401, %dma_wait3A_402] : memref<500000x4xf32, #tpu.memory_space<hbm>> -> memref<500000x4xf32, #tpu.memory_space<hbm>>
        tpu.wait_indirect_dma semaphore(%arg14 : memref<!tpu.dma_semaphore, #tpu.memory_space<semaphore_mem>>) src(%dma_wait3A_403 : memref<500000x4xf32, #tpu.memory_space<hbm>>) dst(%dma_wait3A_397 : memref<128x4xf32, #tpu.memory_space<vmem>>)
        %dma_wait3A_404 = arith.constant 13 : i32
        %dma_wait3A_405 = arith.constant 1664 : i32
        %dma_wait3A_406 = arith.constant 0 : i32
        %dma_wait3A_407 = tpu.memref_slice %arg12[%dma_wait3A_405, %dma_wait3A_406] : memref<3200x4xf32, #tpu.memory_space<vmem>> -> memref<128x4xf32, #tpu.memory_space<vmem>>
        %dma_wait3A_408 = arith.constant 0 : i32
        %dma_wait3A_409 = tpu.memref_slice %arg10[%dma_wait3A_404, %dma_wait3A_408] : memref<25x128xi32, #tpu.memory_space<vmem>> -> memref<1x128xi32, #tpu.memory_space<vmem>>
        %dma_wait3A_410 = tpu.memref_squeeze %dma_wait3A_409 : memref<1x128xi32, #tpu.memory_space<vmem>> -> memref<128xi32, #tpu.memory_space<vmem>>
        %dma_wait3A_411 = arith.constant 0 : i32
        %dma_wait3A_412 = arith.constant 0 : i32
        %dma_wait3A_413 = tpu.memref_slice %arg6[%dma_wait3A_411, %dma_wait3A_412] : memref<500000x4xf32, #tpu.memory_space<hbm>> -> memref<500000x4xf32, #tpu.memory_space<hbm>>
        tpu.wait_indirect_dma semaphore(%arg14 : memref<!tpu.dma_semaphore, #tpu.memory_space<semaphore_mem>>) src(%dma_wait3A_413 : memref<500000x4xf32, #tpu.memory_space<hbm>>) dst(%dma_wait3A_407 : memref<128x4xf32, #tpu.memory_space<vmem>>)
        %dma_wait3A_414 = arith.constant 14 : i32
        %dma_wait3A_415 = arith.constant 1792 : i32
        %dma_wait3A_416 = arith.constant 0 : i32
        %dma_wait3A_417 = tpu.memref_slice %arg12[%dma_wait3A_415, %dma_wait3A_416] : memref<3200x4xf32, #tpu.memory_space<vmem>> -> memref<128x4xf32, #tpu.memory_space<vmem>>
        %dma_wait3A_418 = arith.constant 0 : i32
        %dma_wait3A_419 = tpu.memref_slice %arg10[%dma_wait3A_414, %dma_wait3A_418] : memref<25x128xi32, #tpu.memory_space<vmem>> -> memref<1x128xi32, #tpu.memory_space<vmem>>
        %dma_wait3A_420 = tpu.memref_squeeze %dma_wait3A_419 : memref<1x128xi32, #tpu.memory_space<vmem>> -> memref<128xi32, #tpu.memory_space<vmem>>
        %dma_wait3A_421 = arith.constant 0 : i32
        %dma_wait3A_422 = arith.constant 0 : i32
        %dma_wait3A_423 = tpu.memref_slice %arg6[%dma_wait3A_421, %dma_wait3A_422] : memref<500000x4xf32, #tpu.memory_space<hbm>> -> memref<500000x4xf32, #tpu.memory_space<hbm>>
        tpu.wait_indirect_dma semaphore(%arg14 : memref<!tpu.dma_semaphore, #tpu.memory_space<semaphore_mem>>) src(%dma_wait3A_423 : memref<500000x4xf32, #tpu.memory_space<hbm>>) dst(%dma_wait3A_417 : memref<128x4xf32, #tpu.memory_space<vmem>>)
        %dma_wait3A_424 = arith.constant 15 : i32
        %dma_wait3A_425 = arith.constant 1920 : i32
        %dma_wait3A_426 = arith.constant 0 : i32
        %dma_wait3A_427 = tpu.memref_slice %arg12[%dma_wait3A_425, %dma_wait3A_426] : memref<3200x4xf32, #tpu.memory_space<vmem>> -> memref<128x4xf32, #tpu.memory_space<vmem>>
        %dma_wait3A_428 = arith.constant 0 : i32
        %dma_wait3A_429 = tpu.memref_slice %arg10[%dma_wait3A_424, %dma_wait3A_428] : memref<25x128xi32, #tpu.memory_space<vmem>> -> memref<1x128xi32, #tpu.memory_space<vmem>>
        %dma_wait3A_430 = tpu.memref_squeeze %dma_wait3A_429 : memref<1x128xi32, #tpu.memory_space<vmem>> -> memref<128xi32, #tpu.memory_space<vmem>>
        %dma_wait3A_431 = arith.constant 0 : i32
        %dma_wait3A_432 = arith.constant 0 : i32
        %dma_wait3A_433 = tpu.memref_slice %arg6[%dma_wait3A_431, %dma_wait3A_432] : memref<500000x4xf32, #tpu.memory_space<hbm>> -> memref<500000x4xf32, #tpu.memory_space<hbm>>
        tpu.wait_indirect_dma semaphore(%arg14 : memref<!tpu.dma_semaphore, #tpu.memory_space<semaphore_mem>>) src(%dma_wait3A_433 : memref<500000x4xf32, #tpu.memory_space<hbm>>) dst(%dma_wait3A_427 : memref<128x4xf32, #tpu.memory_space<vmem>>)
        %dma_wait3A_434 = arith.constant 16 : i32
        %dma_wait3A_435 = arith.constant 2048 : i32
        %dma_wait3A_436 = arith.constant 0 : i32
        %dma_wait3A_437 = tpu.memref_slice %arg12[%dma_wait3A_435, %dma_wait3A_436] : memref<3200x4xf32, #tpu.memory_space<vmem>> -> memref<128x4xf32, #tpu.memory_space<vmem>>
        %dma_wait3A_438 = arith.constant 0 : i32
        %dma_wait3A_439 = tpu.memref_slice %arg10[%dma_wait3A_434, %dma_wait3A_438] : memref<25x128xi32, #tpu.memory_space<vmem>> -> memref<1x128xi32, #tpu.memory_space<vmem>>
        %dma_wait3A_440 = tpu.memref_squeeze %dma_wait3A_439 : memref<1x128xi32, #tpu.memory_space<vmem>> -> memref<128xi32, #tpu.memory_space<vmem>>
        %dma_wait3A_441 = arith.constant 0 : i32
        %dma_wait3A_442 = arith.constant 0 : i32
        %dma_wait3A_443 = tpu.memref_slice %arg6[%dma_wait3A_441, %dma_wait3A_442] : memref<500000x4xf32, #tpu.memory_space<hbm>> -> memref<500000x4xf32, #tpu.memory_space<hbm>>
        tpu.wait_indirect_dma semaphore(%arg14 : memref<!tpu.dma_semaphore, #tpu.memory_space<semaphore_mem>>) src(%dma_wait3A_443 : memref<500000x4xf32, #tpu.memory_space<hbm>>) dst(%dma_wait3A_437 : memref<128x4xf32, #tpu.memory_space<vmem>>)
        %dma_wait3A_444 = arith.constant 17 : i32
        %dma_wait3A_445 = arith.constant 2176 : i32
        %dma_wait3A_446 = arith.constant 0 : i32
        %dma_wait3A_447 = tpu.memref_slice %arg12[%dma_wait3A_445, %dma_wait3A_446] : memref<3200x4xf32, #tpu.memory_space<vmem>> -> memref<128x4xf32, #tpu.memory_space<vmem>>
        %dma_wait3A_448 = arith.constant 0 : i32
        %dma_wait3A_449 = tpu.memref_slice %arg10[%dma_wait3A_444, %dma_wait3A_448] : memref<25x128xi32, #tpu.memory_space<vmem>> -> memref<1x128xi32, #tpu.memory_space<vmem>>
        %dma_wait3A_450 = tpu.memref_squeeze %dma_wait3A_449 : memref<1x128xi32, #tpu.memory_space<vmem>> -> memref<128xi32, #tpu.memory_space<vmem>>
        %dma_wait3A_451 = arith.constant 0 : i32
        %dma_wait3A_452 = arith.constant 0 : i32
        %dma_wait3A_453 = tpu.memref_slice %arg6[%dma_wait3A_451, %dma_wait3A_452] : memref<500000x4xf32, #tpu.memory_space<hbm>> -> memref<500000x4xf32, #tpu.memory_space<hbm>>
        tpu.wait_indirect_dma semaphore(%arg14 : memref<!tpu.dma_semaphore, #tpu.memory_space<semaphore_mem>>) src(%dma_wait3A_453 : memref<500000x4xf32, #tpu.memory_space<hbm>>) dst(%dma_wait3A_447 : memref<128x4xf32, #tpu.memory_space<vmem>>)
        %dma_wait3A_454 = arith.constant 18 : i32
        %dma_wait3A_455 = arith.constant 2304 : i32
        %dma_wait3A_456 = arith.constant 0 : i32
        %dma_wait3A_457 = tpu.memref_slice %arg12[%dma_wait3A_455, %dma_wait3A_456] : memref<3200x4xf32, #tpu.memory_space<vmem>> -> memref<128x4xf32, #tpu.memory_space<vmem>>
        %dma_wait3A_458 = arith.constant 0 : i32
        %dma_wait3A_459 = tpu.memref_slice %arg10[%dma_wait3A_454, %dma_wait3A_458] : memref<25x128xi32, #tpu.memory_space<vmem>> -> memref<1x128xi32, #tpu.memory_space<vmem>>
        %dma_wait3A_460 = tpu.memref_squeeze %dma_wait3A_459 : memref<1x128xi32, #tpu.memory_space<vmem>> -> memref<128xi32, #tpu.memory_space<vmem>>
        %dma_wait3A_461 = arith.constant 0 : i32
        %dma_wait3A_462 = arith.constant 0 : i32
        %dma_wait3A_463 = tpu.memref_slice %arg6[%dma_wait3A_461, %dma_wait3A_462] : memref<500000x4xf32, #tpu.memory_space<hbm>> -> memref<500000x4xf32, #tpu.memory_space<hbm>>
        tpu.wait_indirect_dma semaphore(%arg14 : memref<!tpu.dma_semaphore, #tpu.memory_space<semaphore_mem>>) src(%dma_wait3A_463 : memref<500000x4xf32, #tpu.memory_space<hbm>>) dst(%dma_wait3A_457 : memref<128x4xf32, #tpu.memory_space<vmem>>)
        %dma_wait3A_464 = arith.constant 19 : i32
        %dma_wait3A_465 = arith.constant 2432 : i32
        %dma_wait3A_466 = arith.constant 0 : i32
        %dma_wait3A_467 = tpu.memref_slice %arg12[%dma_wait3A_465, %dma_wait3A_466] : memref<3200x4xf32, #tpu.memory_space<vmem>> -> memref<128x4xf32, #tpu.memory_space<vmem>>
        %dma_wait3A_468 = arith.constant 0 : i32
        %dma_wait3A_469 = tpu.memref_slice %arg10[%dma_wait3A_464, %dma_wait3A_468] : memref<25x128xi32, #tpu.memory_space<vmem>> -> memref<1x128xi32, #tpu.memory_space<vmem>>
        %dma_wait3A_470 = tpu.memref_squeeze %dma_wait3A_469 : memref<1x128xi32, #tpu.memory_space<vmem>> -> memref<128xi32, #tpu.memory_space<vmem>>
        %dma_wait3A_471 = arith.constant 0 : i32
        %dma_wait3A_472 = arith.constant 0 : i32
        %dma_wait3A_473 = tpu.memref_slice %arg6[%dma_wait3A_471, %dma_wait3A_472] : memref<500000x4xf32, #tpu.memory_space<hbm>> -> memref<500000x4xf32, #tpu.memory_space<hbm>>
        tpu.wait_indirect_dma semaphore(%arg14 : memref<!tpu.dma_semaphore, #tpu.memory_space<semaphore_mem>>) src(%dma_wait3A_473 : memref<500000x4xf32, #tpu.memory_space<hbm>>) dst(%dma_wait3A_467 : memref<128x4xf32, #tpu.memory_space<vmem>>)
        %dma_wait3A_474 = arith.constant 20 : i32
        %dma_wait3A_475 = arith.constant 2560 : i32
        %dma_wait3A_476 = arith.constant 0 : i32
        %dma_wait3A_477 = tpu.memref_slice %arg12[%dma_wait3A_475, %dma_wait3A_476] : memref<3200x4xf32, #tpu.memory_space<vmem>> -> memref<128x4xf32, #tpu.memory_space<vmem>>
        %dma_wait3A_478 = arith.constant 0 : i32
        %dma_wait3A_479 = tpu.memref_slice %arg10[%dma_wait3A_474, %dma_wait3A_478] : memref<25x128xi32, #tpu.memory_space<vmem>> -> memref<1x128xi32, #tpu.memory_space<vmem>>
        %dma_wait3A_480 = tpu.memref_squeeze %dma_wait3A_479 : memref<1x128xi32, #tpu.memory_space<vmem>> -> memref<128xi32, #tpu.memory_space<vmem>>
        %dma_wait3A_481 = arith.constant 0 : i32
        %dma_wait3A_482 = arith.constant 0 : i32
        %dma_wait3A_483 = tpu.memref_slice %arg6[%dma_wait3A_481, %dma_wait3A_482] : memref<500000x4xf32, #tpu.memory_space<hbm>> -> memref<500000x4xf32, #tpu.memory_space<hbm>>
        tpu.wait_indirect_dma semaphore(%arg14 : memref<!tpu.dma_semaphore, #tpu.memory_space<semaphore_mem>>) src(%dma_wait3A_483 : memref<500000x4xf32, #tpu.memory_space<hbm>>) dst(%dma_wait3A_477 : memref<128x4xf32, #tpu.memory_space<vmem>>)
        %dma_wait3A_484 = arith.constant 21 : i32
        %dma_wait3A_485 = arith.constant 2688 : i32
        %dma_wait3A_486 = arith.constant 0 : i32
        %dma_wait3A_487 = tpu.memref_slice %arg12[%dma_wait3A_485, %dma_wait3A_486] : memref<3200x4xf32, #tpu.memory_space<vmem>> -> memref<128x4xf32, #tpu.memory_space<vmem>>
        %dma_wait3A_488 = arith.constant 0 : i32
        %dma_wait3A_489 = tpu.memref_slice %arg10[%dma_wait3A_484, %dma_wait3A_488] : memref<25x128xi32, #tpu.memory_space<vmem>> -> memref<1x128xi32, #tpu.memory_space<vmem>>
        %dma_wait3A_490 = tpu.memref_squeeze %dma_wait3A_489 : memref<1x128xi32, #tpu.memory_space<vmem>> -> memref<128xi32, #tpu.memory_space<vmem>>
        %dma_wait3A_491 = arith.constant 0 : i32
        %dma_wait3A_492 = arith.constant 0 : i32
        %dma_wait3A_493 = tpu.memref_slice %arg6[%dma_wait3A_491, %dma_wait3A_492] : memref<500000x4xf32, #tpu.memory_space<hbm>> -> memref<500000x4xf32, #tpu.memory_space<hbm>>
        tpu.wait_indirect_dma semaphore(%arg14 : memref<!tpu.dma_semaphore, #tpu.memory_space<semaphore_mem>>) src(%dma_wait3A_493 : memref<500000x4xf32, #tpu.memory_space<hbm>>) dst(%dma_wait3A_487 : memref<128x4xf32, #tpu.memory_space<vmem>>)
        %dma_wait3A_494 = arith.constant 22 : i32
        %dma_wait3A_495 = arith.constant 2816 : i32
        %dma_wait3A_496 = arith.constant 0 : i32
        %dma_wait3A_497 = tpu.memref_slice %arg12[%dma_wait3A_495, %dma_wait3A_496] : memref<3200x4xf32, #tpu.memory_space<vmem>> -> memref<128x4xf32, #tpu.memory_space<vmem>>
        %dma_wait3A_498 = arith.constant 0 : i32
        %dma_wait3A_499 = tpu.memref_slice %arg10[%dma_wait3A_494, %dma_wait3A_498] : memref<25x128xi32, #tpu.memory_space<vmem>> -> memref<1x128xi32, #tpu.memory_space<vmem>>
        %dma_wait3A_500 = tpu.memref_squeeze %dma_wait3A_499 : memref<1x128xi32, #tpu.memory_space<vmem>> -> memref<128xi32, #tpu.memory_space<vmem>>
        %dma_wait3A_501 = arith.constant 0 : i32
        %dma_wait3A_502 = arith.constant 0 : i32
        %dma_wait3A_503 = tpu.memref_slice %arg6[%dma_wait3A_501, %dma_wait3A_502] : memref<500000x4xf32, #tpu.memory_space<hbm>> -> memref<500000x4xf32, #tpu.memory_space<hbm>>
        tpu.wait_indirect_dma semaphore(%arg14 : memref<!tpu.dma_semaphore, #tpu.memory_space<semaphore_mem>>) src(%dma_wait3A_503 : memref<500000x4xf32, #tpu.memory_space<hbm>>) dst(%dma_wait3A_497 : memref<128x4xf32, #tpu.memory_space<vmem>>)
        %dma_wait3A_504 = arith.constant 23 : i32
        %dma_wait3A_505 = arith.constant 2944 : i32
        %dma_wait3A_506 = arith.constant 0 : i32
        %dma_wait3A_507 = tpu.memref_slice %arg12[%dma_wait3A_505, %dma_wait3A_506] : memref<3200x4xf32, #tpu.memory_space<vmem>> -> memref<128x4xf32, #tpu.memory_space<vmem>>
        %dma_wait3A_508 = arith.constant 0 : i32
        %dma_wait3A_509 = tpu.memref_slice %arg10[%dma_wait3A_504, %dma_wait3A_508] : memref<25x128xi32, #tpu.memory_space<vmem>> -> memref<1x128xi32, #tpu.memory_space<vmem>>
        %dma_wait3A_510 = tpu.memref_squeeze %dma_wait3A_509 : memref<1x128xi32, #tpu.memory_space<vmem>> -> memref<128xi32, #tpu.memory_space<vmem>>
        %dma_wait3A_511 = arith.constant 0 : i32
        %dma_wait3A_512 = arith.constant 0 : i32
        %dma_wait3A_513 = tpu.memref_slice %arg6[%dma_wait3A_511, %dma_wait3A_512] : memref<500000x4xf32, #tpu.memory_space<hbm>> -> memref<500000x4xf32, #tpu.memory_space<hbm>>
        tpu.wait_indirect_dma semaphore(%arg14 : memref<!tpu.dma_semaphore, #tpu.memory_space<semaphore_mem>>) src(%dma_wait3A_513 : memref<500000x4xf32, #tpu.memory_space<hbm>>) dst(%dma_wait3A_507 : memref<128x4xf32, #tpu.memory_space<vmem>>)
        %dma_wait3A_514 = arith.constant 24 : i32
        %dma_wait3A_515 = arith.constant 3072 : i32
        %dma_wait3A_516 = arith.constant 0 : i32
        %dma_wait3A_517 = tpu.memref_slice %arg12[%dma_wait3A_515, %dma_wait3A_516] : memref<3200x4xf32, #tpu.memory_space<vmem>> -> memref<128x4xf32, #tpu.memory_space<vmem>>
        %dma_wait3A_518 = arith.constant 0 : i32
        %dma_wait3A_519 = tpu.memref_slice %arg10[%dma_wait3A_514, %dma_wait3A_518] : memref<25x128xi32, #tpu.memory_space<vmem>> -> memref<1x128xi32, #tpu.memory_space<vmem>>
        %dma_wait3A_520 = tpu.memref_squeeze %dma_wait3A_519 : memref<1x128xi32, #tpu.memory_space<vmem>> -> memref<128xi32, #tpu.memory_space<vmem>>
        %dma_wait3A_521 = arith.constant 0 : i32
        %dma_wait3A_522 = arith.constant 0 : i32
        %dma_wait3A_523 = tpu.memref_slice %arg6[%dma_wait3A_521, %dma_wait3A_522] : memref<500000x4xf32, #tpu.memory_space<hbm>> -> memref<500000x4xf32, #tpu.memory_space<hbm>>
        tpu.wait_indirect_dma semaphore(%arg14 : memref<!tpu.dma_semaphore, #tpu.memory_space<semaphore_mem>>) src(%dma_wait3A_523 : memref<500000x4xf32, #tpu.memory_space<hbm>>) dst(%dma_wait3A_517 : memref<128x4xf32, #tpu.memory_space<vmem>>)
        %scan3A_524 = arith.constant 0 : i32
        %scan3A_525 = arith.constant 0 : i32
        %scan3A_526 = arith.constant 200 : i32
        %scan3A_527 = arith.addi %scan3A_525, %scan3A_526 : i32
        %scan3A_528 = arith.constant 1 : i32
        %scan3A_529 = scf.for %scan3A_533 = %scan3A_525 to %scan3A_527 step %scan3A_528 iter_args(%scan3A_534 = %scan3A_524) -> (i32)  : i32 {
          %mul3A_535 = arith.constant 16 : i32
          %mul3A_536 = arith.muli %scan3A_533, %mul3A_535 : i32
          %add3A_537 = vector.broadcast %mul3A_536 : i32 to vector<16xi32>
          %add3A_538 = arith.addi %add3A_537, %iota3A : vector<16xi32>
          %shift_right_logical3A = arith.constant 7 : i32
          %shift_right_logical3A_539 = vector.broadcast %shift_right_logical3A : i32 to vector<16xi32>
          %shift_right_logical3A_540 = arith.shrui %add3A_538, %shift_right_logical3A_539 : vector<16xi32>
          %and3A = arith.constant 127 : i32
          %and3A_541 = vector.broadcast %and3A : i32 to vector<16xi32>
          %and3A_542 = arith.andi %add3A_538, %and3A_541 : vector<16xi32>
          %mul3A_543 = arith.constant 16 : i32
          %mul3A_544 = arith.muli %scan3A_533, %mul3A_543 : i32
          %get3A = arith.index_cast %mul3A_544 : i32 to index
          %get3A_545 = tpu.vector_load %arg9[%get3A] {strides = array<i32>} : memref<3200xi32, #tpu.memory_space<vmem>>, vector<16xi32>,
          %shift_right_logical3A_546 = arith.constant 3 : i32
          %shift_right_logical3A_547 = vector.broadcast %shift_right_logical3A_546 : i32 to vector<16xi32>
          %shift_right_logical3A_548 = arith.shrui %get3A_545, %shift_right_logical3A_547 : vector<16xi32>
          %and3A_549 = arith.constant 7 : i32
          %and3A_550 = vector.broadcast %and3A_549 : i32 to vector<16xi32>
          %and3A_551 = arith.andi %get3A_545, %and3A_550 : vector<16xi32>
          %shift_left3A = arith.constant 4 : i32
          %shift_left3A_552 = vector.broadcast %shift_left3A : i32 to vector<16xi32>
          %shift_left3A_553 = arith.shli %and3A_551, %shift_left3A_552 : vector<16xi32>
          %add3A_554 = arith.constant 0 : i32
          %add3A_555 = vector.broadcast %add3A_554 : i32 to vector<16xi32>
          %add3A_556 = arith.addi %shift_left3A_553, %add3A_555 : vector<16xi32>
          %gather3A = tpu.vector_load_idx %arg8[%shift_right_logical3A_548, %add3A_556] : memref<250x128xf32, #tpu.memory_space<vmem>>[vector<16xi32>, vector<16xi32>], vector<16xf32>,
          %add3A_557 = arith.constant 1 : i32
          %add3A_558 = vector.broadcast %add3A_557 : i32 to vector<16xi32>
          %add3A_559 = arith.addi %shift_left3A_553, %add3A_558 : vector<16xi32>
          %gather3A_560 = tpu.vector_load_idx %arg8[%shift_right_logical3A_548, %add3A_559] : memref<250x128xf32, #tpu.memory_space<vmem>>[vector<16xi32>, vector<16xi32>], vector<16xf32>,
          %add3A_561 = arith.constant 2 : i32
          %add3A_562 = vector.broadcast %add3A_561 : i32 to vector<16xi32>
          %add3A_563 = arith.addi %shift_left3A_553, %add3A_562 : vector<16xi32>
          %gather3A_564 = tpu.vector_load_idx %arg8[%shift_right_logical3A_548, %add3A_563] : memref<250x128xf32, #tpu.memory_space<vmem>>[vector<16xi32>, vector<16xi32>], vector<16xf32>,
          %add3A_565 = arith.constant 3 : i32
          %add3A_566 = vector.broadcast %add3A_565 : i32 to vector<16xi32>
          %add3A_567 = arith.addi %shift_left3A_553, %add3A_566 : vector<16xi32>
          %gather3A_568 = tpu.vector_load_idx %arg8[%shift_right_logical3A_548, %add3A_567] : memref<250x128xf32, #tpu.memory_space<vmem>>[vector<16xi32>, vector<16xi32>], vector<16xf32>,
          %add3A_569 = arith.constant 4 : i32
          %add3A_570 = vector.broadcast %add3A_569 : i32 to vector<16xi32>
          %add3A_571 = arith.addi %shift_left3A_553, %add3A_570 : vector<16xi32>
          %gather3A_572 = tpu.vector_load_idx %arg8[%shift_right_logical3A_548, %add3A_571] : memref<250x128xf32, #tpu.memory_space<vmem>>[vector<16xi32>, vector<16xi32>], vector<16xf32>,
          %add3A_573 = arith.constant 5 : i32
          %add3A_574 = vector.broadcast %add3A_573 : i32 to vector<16xi32>
          %add3A_575 = arith.addi %shift_left3A_553, %add3A_574 : vector<16xi32>
          %gather3A_576 = tpu.vector_load_idx %arg8[%shift_right_logical3A_548, %add3A_575] : memref<250x128xf32, #tpu.memory_space<vmem>>[vector<16xi32>, vector<16xi32>], vector<16xf32>,
          %add3A_577 = arith.constant 6 : i32
          %add3A_578 = vector.broadcast %add3A_577 : i32 to vector<16xi32>
          %add3A_579 = arith.addi %shift_left3A_553, %add3A_578 : vector<16xi32>
          %gather3A_580 = tpu.vector_load_idx %arg8[%shift_right_logical3A_548, %add3A_579] : memref<250x128xf32, #tpu.memory_space<vmem>>[vector<16xi32>, vector<16xi32>], vector<16xf32>,
          %add3A_581 = arith.constant 7 : i32
          %add3A_582 = vector.broadcast %add3A_581 : i32 to vector<16xi32>
          %add3A_583 = arith.addi %shift_left3A_553, %add3A_582 : vector<16xi32>
          %gather3A_584 = tpu.vector_load_idx %arg8[%shift_right_logical3A_548, %add3A_583] : memref<250x128xf32, #tpu.memory_space<vmem>>[vector<16xi32>, vector<16xi32>], vector<16xf32>,
          %add3A_585 = arith.constant 8 : i32
          %add3A_586 = vector.broadcast %add3A_585 : i32 to vector<16xi32>
          %add3A_587 = arith.addi %shift_left3A_553, %add3A_586 : vector<16xi32>
          %gather3A_588 = tpu.vector_load_idx %arg8[%shift_right_logical3A_548, %add3A_587] : memref<250x128xf32, #tpu.memory_space<vmem>>[vector<16xi32>, vector<16xi32>], vector<16xf32>,
          %add3A_589 = arith.constant 9 : i32
          %add3A_590 = vector.broadcast %add3A_589 : i32 to vector<16xi32>
          %add3A_591 = arith.addi %shift_left3A_553, %add3A_590 : vector<16xi32>
          %gather3A_592 = tpu.vector_load_idx %arg8[%shift_right_logical3A_548, %add3A_591] : memref<250x128xf32, #tpu.memory_space<vmem>>[vector<16xi32>, vector<16xi32>], vector<16xf32>,
          %gather3A_593 = tpu.vector_load_idx %arg12[%add3A_538, %broadcast_in_dim3A_1] : memref<3200x4xf32, #tpu.memory_space<vmem>>[vector<16xi32>, vector<16xi32>], vector<16xf32>,
          %gather3A_594 = tpu.vector_load_idx %arg12[%add3A_538, %broadcast_in_dim3A_3] : memref<3200x4xf32, #tpu.memory_space<vmem>>[vector<16xi32>, vector<16xi32>], vector<16xf32>,
          %gather3A_595 = tpu.vector_load_idx %arg12[%add3A_538, %broadcast_in_dim3A_5] : memref<3200x4xf32, #tpu.memory_space<vmem>>[vector<16xi32>, vector<16xi32>], vector<16xf32>,
          %gather3A_596 = tpu.vector_load_idx %arg11[%shift_right_logical3A_540, %and3A_542] : memref<50x128xf32, #tpu.memory_space<vmem>>[vector<16xi32>, vector<16xi32>], vector<16xf32>,
          %add3A_597 = arith.constant 25 : i32
          %add3A_598 = vector.broadcast %add3A_597 : i32 to vector<16xi32>
          %add3A_599 = arith.addi %shift_right_logical3A_540, %add3A_598 : vector<16xi32>
          %gather3A_600 = tpu.vector_load_idx %arg11[%add3A_599, %and3A_542] : memref<50x128xf32, #tpu.memory_space<vmem>>[vector<16xi32>, vector<16xi32>], vector<16xf32>,
          %mul3A_601 = arith.mulf %gather3A_568, %gather3A_568 : vector<16xf32>
          %mul3A_602 = arith.mulf %gather3A_572, %gather3A_572 : vector<16xf32>
          %add3A_603 = arith.addf %mul3A_601, %mul3A_602 : vector<16xf32>
          %mul3A_604 = arith.mulf %gather3A_576, %gather3A_576 : vector<16xf32>
          %add3A_605 = arith.addf %add3A_603, %mul3A_604 : vector<16xf32>
          %mul3A_606 = arith.mulf %gather3A_580, %gather3A_580 : vector<16xf32>
          %add3A_607 = arith.addf %add3A_605, %mul3A_606 : vector<16xf32>
          %mul3A_608 = arith.mulf %gather3A_572, %gather3A_595 : vector<16xf32>
          %mul3A_609 = arith.mulf %gather3A_576, %gather3A_594 : vector<16xf32>
          %sub3A = arith.subf %mul3A_608, %mul3A_609 : vector<16xf32>
          %mul3A_610 = arith.mulf %gather3A_576, %gather3A_593 : vector<16xf32>
          %mul3A_611 = arith.mulf %gather3A_568, %gather3A_595 : vector<16xf32>
          %sub3A_612 = arith.subf %mul3A_610, %mul3A_611 : vector<16xf32>
          %mul3A_613 = arith.mulf %gather3A_568, %gather3A_594 : vector<16xf32>
          %mul3A_614 = arith.mulf %gather3A_572, %gather3A_593 : vector<16xf32>
          %sub3A_615 = arith.subf %mul3A_613, %mul3A_614 : vector<16xf32>
          %mul3A_616 = arith.mulf %gather3A_572, %sub3A_615 : vector<16xf32>
          %mul3A_617 = arith.mulf %gather3A_576, %sub3A_612 : vector<16xf32>
          %sub3A_618 = arith.subf %mul3A_616, %mul3A_617 : vector<16xf32>
          %mul3A_619 = arith.mulf %gather3A_576, %sub3A : vector<16xf32>
          %mul3A_620 = arith.mulf %gather3A_568, %sub3A_615 : vector<16xf32>
          %sub3A_621 = arith.subf %mul3A_619, %mul3A_620 : vector<16xf32>
          %mul3A_622 = arith.mulf %gather3A_568, %sub3A_612 : vector<16xf32>
          %mul3A_623 = arith.mulf %gather3A_572, %sub3A : vector<16xf32>
          %sub3A_624 = arith.subf %mul3A_622, %mul3A_623 : vector<16xf32>
          %div3A = arith.constant 2.000000e+00 : f32
          %div3A_625 = vector.broadcast %div3A : f32 to vector<16xf32>
          %div3A_626 = arith.divf %div3A_625, %add3A_607 : vector<16xf32>
          %mul3A_627 = arith.mulf %gather3A_580, %sub3A : vector<16xf32>
          %add3A_628 = arith.addf %mul3A_627, %sub3A_618 : vector<16xf32>
          %mul3A_629 = arith.mulf %div3A_626, %add3A_628 : vector<16xf32>
          %add3A_630 = arith.addf %gather3A_593, %mul3A_629 : vector<16xf32>
          %add3A_631 = arith.addf %add3A_630, %gather3A : vector<16xf32>
          %mul3A_632 = arith.mulf %gather3A_580, %sub3A_612 : vector<16xf32>
          %add3A_633 = arith.addf %mul3A_632, %sub3A_621 : vector<16xf32>
          %mul3A_634 = arith.mulf %div3A_626, %add3A_633 : vector<16xf32>
          %add3A_635 = arith.addf %gather3A_594, %mul3A_634 : vector<16xf32>
          %add3A_636 = arith.addf %add3A_635, %gather3A_560 : vector<16xf32>
          %mul3A_637 = arith.mulf %gather3A_580, %sub3A_615 : vector<16xf32>
          %add3A_638 = arith.addf %mul3A_637, %sub3A_624 : vector<16xf32>
          %mul3A_639 = arith.mulf %div3A_626, %add3A_638 : vector<16xf32>
          %add3A_640 = arith.addf %gather3A_595, %mul3A_639 : vector<16xf32>
          %add3A_641 = arith.addf %add3A_640, %gather3A_564 : vector<16xf32>
          %div3A_642 = arith.divf %add3A_631, %add3A_641 : vector<16xf32>
          %div3A_643 = arith.divf %add3A_636, %add3A_641 : vector<16xf32>
          %mul3A_644 = arith.mulf %div3A_642, %div3A_642 : vector<16xf32>
          %mul3A_645 = arith.mulf %div3A_643, %div3A_643 : vector<16xf32>
          %add3A_646 = arith.addf %mul3A_644, %mul3A_645 : vector<16xf32>
          %mul3A_647 = arith.mulf %gather3A_588, %add3A_646 : vector<16xf32>
          %add3A_648 = arith.constant 1.000000e+00 : f32
          %add3A_649 = vector.broadcast %add3A_648 : f32 to vector<16xf32>
          %add3A_650 = arith.addf %add3A_649, %mul3A_647 : vector<16xf32>
          %mul3A_651 = arith.mulf %gather3A_592, %add3A_646 : vector<16xf32>
          %mul3A_652 = arith.mulf %mul3A_651, %add3A_646 : vector<16xf32>
          %add3A_653 = arith.addf %add3A_650, %mul3A_652 : vector<16xf32>
          %mul3A_654 = arith.mulf %add3A_653, %gather3A_584 : vector<16xf32>
          %mul3A_655 = arith.mulf %div3A_642, %mul3A_654 : vector<16xf32>
          %sub3A_656 = arith.subf %mul3A_655, %gather3A_596 : vector<16xf32>
          tpu.vector_store_idx %arg13[%shift_right_logical3A_540, %and3A_542], %sub3A_656 : memref<50x128xf32, #tpu.memory_space<vmem>>[vector<16xi32>, vector<16xi32>], vector<16xf32>,
          %add3A_657 = arith.constant 25 : i32
          %add3A_658 = vector.broadcast %add3A_657 : i32 to vector<16xi32>
          %add3A_659 = arith.addi %shift_right_logical3A_540, %add3A_658 : vector<16xi32>
          %mul3A_660 = arith.mulf %div3A_643, %mul3A_654 : vector<16xf32>
          %sub3A_661 = arith.subf %mul3A_660, %gather3A_600 : vector<16xf32>
          tpu.vector_store_idx %arg13[%add3A_659, %and3A_542], %sub3A_661 : memref<50x128xf32, #tpu.memory_space<vmem>>[vector<16xi32>, vector<16xi32>], vector<16xf32>,
          %scan3A_662 = arith.constant 0 : i32
          scf.yield %scan3A_662 : i32
        }
        %scan3A_530 = arith.constant 200 : i32
        "tpu.region"() ({
          %run_scoped3A = tpu.sem_alloc : memref<!tpu.dma_semaphore, #tpu.memory_space<semaphore_mem>>
          %dma_start3A_533 = arith.constant 0 : i32
          %dma_start3A_534 = arith.constant 0 : i32
          %dma_start3A_535 = tpu.memref_slice %arg13[%dma_start3A_533, %dma_start3A_534] : memref<50x128xf32, #tpu.memory_space<vmem>> -> memref<25x128xf32, #tpu.memory_space<vmem>>
          %dma_start3A_536 = arith.constant 0 : i32
          %dma_start3A_537 = tpu.memref_slice %arg7[%mul3A_23, %dma_start3A_536] : memref<31250x128xf32, #tpu.memory_space<hbm>> -> memref<25x128xf32, #tpu.memory_space<hbm>>
          %dma_start3A_538 = arith.constant 0 : i32
          %dma_start3A_539 = tpu.memref_slice %arg7[%mul3A_23, %dma_start3A_538] : memref<31250x128xf32, #tpu.memory_space<hbm>> -> memref<25x128xf32, #tpu.memory_space<hbm>>
          %dma_start3A_540 = arith.constant 0 : i32
          %dma_start3A_541 = arith.constant 0 : i32
          %dma_start3A_542 = tpu.memref_slice %arg13[%dma_start3A_540, %dma_start3A_541] : memref<50x128xf32, #tpu.memory_space<vmem>> -> memref<25x128xf32, #tpu.memory_space<vmem>>
          tpu.enqueue_dma source(%dma_start3A_542 : memref<25x128xf32, #tpu.memory_space<vmem>>) target(%dma_start3A_539 : memref<25x128xf32, #tpu.memory_space<hbm>>) target_semaphore(%run_scoped3A : memref<!tpu.dma_semaphore, #tpu.memory_space<semaphore_mem>>)
          %dma_wait3A_543 = arith.constant 0 : i32
          %dma_wait3A_544 = arith.constant 0 : i32
          %dma_wait3A_545 = tpu.memref_slice %arg13[%dma_wait3A_543, %dma_wait3A_544] : memref<50x128xf32, #tpu.memory_space<vmem>> -> memref<25x128xf32, #tpu.memory_space<vmem>>
          %dma_wait3A_546 = arith.constant 0 : i32
          %dma_wait3A_547 = tpu.memref_slice %arg7[%mul3A_23, %dma_wait3A_546] : memref<31250x128xf32, #tpu.memory_space<hbm>> -> memref<25x128xf32, #tpu.memory_space<hbm>>
          %dma_wait3A_548 = arith.constant 0 : i32
          %dma_wait3A_549 = tpu.memref_slice %arg7[%mul3A_23, %dma_wait3A_548] : memref<31250x128xf32, #tpu.memory_space<hbm>> -> memref<25x128xf32, #tpu.memory_space<hbm>>
          %dma_wait3A_550 = arith.constant 0 : i32
          %dma_wait3A_551 = arith.constant 0 : i32
          %dma_wait3A_552 = tpu.memref_slice %arg13[%dma_wait3A_550, %dma_wait3A_551] : memref<50x128xf32, #tpu.memory_space<vmem>> -> memref<25x128xf32, #tpu.memory_space<vmem>>
          tpu.wait_dma2 semaphore(%run_scoped3A : memref<!tpu.dma_semaphore, #tpu.memory_space<semaphore_mem>>) src(%dma_wait3A_552 : memref<25x128xf32, #tpu.memory_space<vmem>>) dst(%dma_wait3A_549 : memref<25x128xf32, #tpu.memory_space<hbm>>)
          tpu.yield
        }) : () -> ()
        %add3A_531 = arith.constant 15625 : i32
        %add3A_532 = arith.addi %add3A_531, %mul3A_23 : i32
        "tpu.region"() ({
          %run_scoped3A = tpu.sem_alloc : memref<!tpu.dma_semaphore, #tpu.memory_space<semaphore_mem>>
          %dma_start3A_533 = arith.constant 25 : i32
          %dma_start3A_534 = arith.constant 0 : i32
          %dma_start3A_535 = tpu.memref_slice %arg13[%dma_start3A_533, %dma_start3A_534] : memref<50x128xf32, #tpu.memory_space<vmem>> -> memref<25x128xf32, #tpu.memory_space<vmem>>
          %dma_start3A_536 = arith.constant 0 : i32
          %dma_start3A_537 = tpu.memref_slice %arg7[%add3A_532, %dma_start3A_536] : memref<31250x128xf32, #tpu.memory_space<hbm>> -> memref<25x128xf32, #tpu.memory_space<hbm>>
          %dma_start3A_538 = arith.constant 0 : i32
          %dma_start3A_539 = tpu.memref_slice %arg7[%add3A_532, %dma_start3A_538] : memref<31250x128xf32, #tpu.memory_space<hbm>> -> memref<25x128xf32, #tpu.memory_space<hbm>>
          %dma_start3A_540 = arith.constant 25 : i32
          %dma_start3A_541 = arith.constant 0 : i32
          %dma_start3A_542 = tpu.memref_slice %arg13[%dma_start3A_540, %dma_start3A_541] : memref<50x128xf32, #tpu.memory_space<vmem>> -> memref<25x128xf32, #tpu.memory_space<vmem>>
          tpu.enqueue_dma source(%dma_start3A_542 : memref<25x128xf32, #tpu.memory_space<vmem>>) target(%dma_start3A_539 : memref<25x128xf32, #tpu.memory_space<hbm>>) target_semaphore(%run_scoped3A : memref<!tpu.dma_semaphore, #tpu.memory_space<semaphore_mem>>)
          %dma_wait3A_543 = arith.constant 25 : i32
          %dma_wait3A_544 = arith.constant 0 : i32
          %dma_wait3A_545 = tpu.memref_slice %arg13[%dma_wait3A_543, %dma_wait3A_544] : memref<50x128xf32, #tpu.memory_space<vmem>> -> memref<25x128xf32, #tpu.memory_space<vmem>>
          %dma_wait3A_546 = arith.constant 0 : i32
          %dma_wait3A_547 = tpu.memref_slice %arg7[%add3A_532, %dma_wait3A_546] : memref<31250x128xf32, #tpu.memory_space<hbm>> -> memref<25x128xf32, #tpu.memory_space<hbm>>
          %dma_wait3A_548 = arith.constant 0 : i32
          %dma_wait3A_549 = tpu.memref_slice %arg7[%add3A_532, %dma_wait3A_548] : memref<31250x128xf32, #tpu.memory_space<hbm>> -> memref<25x128xf32, #tpu.memory_space<hbm>>
          %dma_wait3A_550 = arith.constant 25 : i32
          %dma_wait3A_551 = arith.constant 0 : i32
          %dma_wait3A_552 = tpu.memref_slice %arg13[%dma_wait3A_550, %dma_wait3A_551] : memref<50x128xf32, #tpu.memory_space<vmem>> -> memref<25x128xf32, #tpu.memory_space<vmem>>
          tpu.wait_dma2 semaphore(%run_scoped3A : memref<!tpu.dma_semaphore, #tpu.memory_space<semaphore_mem>>) src(%dma_wait3A_552 : memref<25x128xf32, #tpu.memory_space<vmem>>) dst(%dma_wait3A_549 : memref<25x128xf32, #tpu.memory_space<hbm>>)
          tpu.yield
        }) : () -> ()
      } else {
      }
      %scan3A_19 = arith.constant 0 : i32
      scf.yield %scan3A_19 : i32
    }
    %scan3A_11 = arith.constant 20 : i32
    return
  }
}

</mosaic_0001>

<sc_bundles>
// kernel: kernel.3.cloned.1.call-start
scs
__scs_entry_jumppad:
0x0: {  	(pc) =	sbr.rel $0x88, $3  }
0x1: {  	(tag) =	ssettag $0x0;
	lr =	simm.s32 $0x1  }
0x2: {  	[smem:$0x3F9C] =	sst lr;
	_ =	strace $0xD0000000  }
0x3: {  	_ = 	snop  }
0x4: {  	_ = 	snop  }
0x5: {  	_ = 	snop  }
0x6: {  	_ = 	snop  }
0x7: {  	_ = 	snop  }
__scs_overlays_trampoline_lowered:
0x8: {  	[smem:$0x3FAB] =	sst s0  }
0x9: {  	[smem:$0x3FAC] =	sst s1  }
0xa: {  	[smem:$0x3FAD] =	sst s2  }
0xb: {  	[smem:$0x3FAE] =	sst s3  }
0xc: {  	[smem:$0x3FAF] =	sst s4  }
0xd: {  	[smem:$0x3FB0] =	sst s5  }
0xe: {  	[smem:$0x3FB1] =	sst s6  }
0xf: {  	[smem:$0x3FB2] =	sst s7  }
0x10: {  	[smem:$0x3FB3] =	sst s8  }
0x11: {  	[smem:$0x3FB4] =	sst s9;
	s0 =	simm.s32 @!p0 $0x0  }
0x12: {  	s1 =	sld [smem:$0x3F9A];
	s0 =	simm.s32 @p0 $0x1  }
0x13: {  	[smem:$0x3FB5] =	sst s0;
	s0 =	simm.s32 @!p1 $0x0  }
0x14: {  	s2 =	sld [smem:$0x3F99];
	s0 =	simm.s32 @p1 $0x1  }
0x15: {  	[smem:$0x3FB6] =	sst s0;
	s0 =	simm.s32 @!p2 $0x0  }
0x16: {  	s3 =	sld [smem:$0x3FDB];
	s0 =	simm.s32 @p2 $0x1  }
0x17: {  	s4 =	simm.s32 $0x1BF5;
	[smem:$0x3FB8] =	sst s0  }
0x18: {  	s0 =	sld [smem:$0x3F9B];
	_ =	swait.ge [sflag:s4], $0x0  }
0x19: {  	s7 =	sld [smem:$0x3F9C]  }
0x1a: {  	s8 =	sadd.s32 $0xFFFFE003, lr  }
0x1b: {  	s9 =	sadd.s32 $0xFFFFFEF7, lr;
	s5 =	simm.s32 $0xFFFFFFFF;
	p2 =	slt.u32 s8, $0xFFFFF086  }
0x1c: {  	p1 =	slt.u32 s9, $0xF7A;
	s5 =	simm.s32 @!p2 $0x0  }
0x1d: {  	s5 =	simm.s32 @p1 $0x1;
	p0 =	seq.s32 s7, s2  }
0x1e: {  	s7 =	smul.u32 @!p0 $0xF7A, s2;
	p2 =	seq.s32 @!p0 s5, $0x0  }
0x1f: {  	s9 =	smul.u32 $0xF7A, s1;
	s8 =	simm.s32 @!p0 $0x1BF5;
	p2 =	por !p2, p0  }
0x20: {  	[sflag:s8] =	ssyncset.s32 @!p0 $0xFFFFF086;
	s6 =	sadd.s32 @!p0 s3, s7;
	s7 =	simm.s32 @!p0 $0x108  }
0x21: {  	s3 =	sadd.s32 s3, s9;
	s6 =	sadd.s32 @!p0 $0x88, s6;
	s7 =	simm.s32 @p2 $0x1082  }
0x22: {  	[simem:s7], [sflag:s8] =	dma.local @!p0 [hbm:s6], $0xF7A  }
0x23: {  	s9 =	sor.u32 $0xD0000000, s2;
	s6 =	simm.s32 $0x108;
	_ =	swait.ge @!p0 [sflag:s8], $0x0  }
0x24: {  	s3 =	sadd.s32 $0x88, s3;
	s6 =	simm.s32 @!p1 $0x1082;
	[sflag:s4] =	ssyncset.s32 $0xFFFFF086  }
0x25: {  	[simem:s6], [sflag:s4] =	dma.local [hbm:s3], $0xF7A  }
0x26: {  	[smem:$0x3F9C] =	sst s1;
	(tag) =	ssettag s2;
	_ =	strace s9  }
0x27: {  	s1 =	sld [smem:$0x3FAC]  }
0x28: {  	s2 =	sld [smem:$0x3FAD]  }
0x29: {  	s4 =	sld [smem:$0x3FAF]  }
0x2a: {  	p0 =	seq.s32 s5, $0x0;
	s5 =	sld [smem:$0x3FB0]  }
0x2b: {  	s6 =	sld [smem:$0x3FB1]  }
0x2c: {  	s7 =	sld [smem:$0x3FB2]  }
0x2d: {  	s3 =	simm.s32 $0x108;
	s8 =	sld [smem:$0x3FB3]  }
0x2e: {  	s3 =	simm.s32 @!p0 $0x1082;
	s9 =	sld [smem:$0x3FB4]  }
0x2f: {  	lr =	sadd.s32 s0, s3;
	s0 =	sld [smem:$0x3FAB]  }
0x30: {  	s3 =	sld [smem:$0x3FAE]  }
0x31: {  	[smem:$0x3FB7] =	sst s10  }
0x32: {  	s10 =	sld [smem:$0x3FB5];
	_ =	sdelay $0x3  }
0x33: {  	p0 =	seq.s32 s10, $0x1;
	s10 =	sld [smem:$0x3FB7];
	_ =	sdelay $0x3  }
0x34: {  	[smem:$0x3FB7] =	sst s10  }
0x35: {  	s10 =	sld [smem:$0x3FB6];
	_ =	sdelay $0x3  }
0x36: {  	p1 =	seq.s32 s10, $0x1;
	s10 =	sld [smem:$0x3FB7];
	_ =	sdelay $0x3  }
0x37: {  	[smem:$0x3FB7] =	sst s10  }
0x38: {  	s10 =	sld [smem:$0x3FB8]  }
0x39: {  	_ = 	snop;
	(pc) =	sbr.ind lr, $3  }
0x3a: {  	_ = 	snop  }
0x3b: {  	_ = 	snop  }
0x3c: {  	p2 =	seq.s32 s10, $0x1;
	s10 =	sld [smem:$0x3FB7]  }
0x3d: {  	_ =	shalt  }
0x3e: {  	_ =	shalt  }
0x3f: {  	_ =	shalt  }
0x40: {  	_ =	shalt  }
0x41: {  	_ =	shalt  }
0x42: {  	_ =	shalt  }
0x43: {  	_ =	shalt  }
0x44: {  	_ =	shalt  }
0x45: {  	_ =	shalt  }
0x46: {  	_ =	shalt  }
0x47: {  	_ =	shalt  }
0x48: {  	_ =	shalt  }
0x49: {  	_ =	shalt  }
0x4a: {  	_ =	shalt  }
0x4b: {  	_ =	shalt  }
0x4c: {  	_ =	shalt  }
0x4d: {  	_ =	shalt  }
0x4e: {  	_ =	shalt  }
0x4f: {  	_ =	shalt  }
0x50: {  	_ =	shalt  }
0x51: {  	_ =	shalt  }
0x52: {  	_ =	shalt  }
0x53: {  	_ =	shalt  }
0x54: {  	_ =	shalt  }
0x55: {  	_ =	shalt  }
0x56: {  	_ =	shalt  }
0x57: {  	_ =	shalt  }
0x58: {  	_ =	shalt  }
0x59: {  	_ =	shalt  }
0x5a: {  	_ =	shalt  }
0x5b: {  	_ =	shalt  }
0x5c: {  	_ =	shalt  }
0x5d: {  	_ =	shalt  }
0x5e: {  	_ =	shalt  }
0x5f: {  	_ =	shalt  }
0x60: {  	_ =	shalt  }
0x61: {  	_ =	shalt  }
0x62: {  	_ =	shalt  }
0x63: {  	_ =	shalt  }
0x64: {  	_ =	shalt  }
0x65: {  	_ =	shalt  }
0x66: {  	_ =	shalt  }
0x67: {  	_ =	shalt  }
0x68: {  	_ =	shalt  }
0x69: {  	_ =	shalt  }
0x6a: {  	_ =	shalt  }
0x6b: {  	_ =	shalt  }
0x6c: {  	_ =	shalt  }
0x6d: {  	_ =	shalt  }
0x6e: {  	_ =	shalt  }
0x6f: {  	_ =	shalt  }
0x70: {  	_ =	shalt  }
0x71: {  	_ =	shalt  }
0x72: {  	_ =	shalt  }
0x73: {  	_ =	shalt  }
0x74: {  	_ =	shalt  }
0x75: {  	_ =	shalt  }
0x76: {  	_ =	shalt  }
0x77: {  	_ =	shalt  }
0x78: {  	_ =	shalt  }
0x79: {  	_ =	shalt  }
0x7a: {  	_ =	shalt  }
0x7b: {  	_ =	shalt  }
0x7c: {  	_ =	shalt  }
0x7d: {  	_ =	shalt  }
0x7e: {  	_ =	shalt  }
0x7f: {  	_ =	shalt  }
0x80: {  	_ =	shalt  }
0x81: {  	_ =	shalt  }
0x82: {  	_ =	shalt  }
0x83: {  	_ =	shalt  }
0x84: {  	_ =	shalt  }
0x85: {  	_ =	shalt  }
0x86: {  	_ =	shalt  }
0x87: {  	_ =	shalt  }
.Lfunc_end0:
.L_simem_size_0:
called_computation_lowered:
.L_overlay_start_0:
0x88: {  	s2 =	sld [smem:$0x3FD9]  }
0x89: {  	s3 =	sld [smem:$0x3FFE];
	_ =	sdelay $0x1  }
0x8a: {  	s1 =	srdreg.scid  }
0x8b: {  	s0 =	sand.u32 $0x1, s1  }
0x8c: {  	s17 =	sshll.u32 s0, $0xA;
	s2 =	sadd.s32 s3, s2  }
0x8d: {  	s2 =	sadd.s32 s2, s17  }
0x8e: {  	[smem:$0x3FC3] =	sst s2  }
0x8f: {  	_ = 	snop  }
0x90: {  	s2 =	sld [smem:$0x3FC8]  }
0x91: {  	s18 =	sld [smem:$0x3FC7];
	(tm) =	ssettm $0x1  }
0x92: {  	s4 =	sld [smem:$0x3FFB];
	_ =	sdelay $0x3  }
0x93: {  	_ =	strace s4  }
0x94: {  	s4 =	sld [smem:$0x3FFC];
	_ =	sdelay $0x3  }
0x95: {  	_ =	strace s4  }
0x96: {  	s4 =	sld [smem:$0x3FFD];
	_ =	sdelay $0x3  }
0x97: {  	_ =	strace s4  }
0x98: {  	_ =	strace $0x8FFFFFFF  }
0x99: {  	s19 =	sld [smem:$0x3FDB];
	_ =	sdelay $0x1  }
0x9a: {  	s5 =	simm.s32 $_scs_section_size  }
0x9b: {  	s6 =	simm.s32 $_size__tile_overlayer_lowered;
	s7 =	simm.s32 $_tile_overlayer_lowered  }
0x9c: {  	s22 =	simm.s32 $0x1BFF;
	s21 =	sshll.u32 s7, $0x1;
	s4 =	sadd.s32 s5, s19  }
0x9d: {  	s8 =	simm.s32 $0x0;
	s20 =	sshll.u32 s6, $0x1;
	s6 =	sadd.s32 s21, s4  }
0x9e: {  	[timem:s8], [sflag:s22] =	dma.local [hbm:s6], s20  }
0x9f: {  	_ =	swait.ge [sflag:s22], s20  }
0xa0: {  	s5 =	ssub.s32 $0x0, s20;
	[sflag:s22] =	ssyncset.done $0x0  }
0xa1: {  	[sflag:s22] =	ssyncadd.s32 s5;
	_ =	sdelay $0x1  }
0xa2: {  	s23 =	simm.s32 $0x1B8B  }
0xa3: {  	_ =	swait.ge [sflag:s23], $0x1  }
0xa4: {  	[sflag:s23] =	ssyncset.done $0x0  }
0xa5: {  	s25 =	simm.s32 $0x1B8E;
	s24 =	sld [smem:$0x3FFE];
	[sflag:s23] =	ssyncadd.s32 $0xFFFFFFFF  }
0xa6: {  	s26 =	simm.s32 $execute0_lowered;
	[smem:$0x3FD2] =	sst s25  }
0xa7: {  	s6 =	sshll.u32 s26, $0x1;
	_ =	strace $0x80000046;
	[dreg:$0x1] =	wrdreg $0xFFFFFFFF  }
0xa8: {  	s28 =	simm.s32 $_size_execute0_lowered;
	s4 =	sadd.s32 s4, s6;
	[dreg:$0x0] =	wrdreg $0x0  }
0xa9: {  	s6 =	sshll.u32 s28, $0x1;
	[dreg:$0x2] =	wrdreg s4  }
0xaa: {  	[dreg:$0x3] =	wrdreg s6  }
0xab: {  	[dreg:$0x4] =	wrdreg $0xC0  }
0xac: {  	_ =	task [dreg:s8], $0x5FFFF  }
0xad: {  	[dreg:$0x1] =	wrdreg $0xFFFFFFFF  }
0xae: {  	[dreg:$0x0] =	wrdreg $0x60  }
0xaf: {  	[dreg:$0x2] =	wrdreg s24  }
0xb0: {  	[dreg:$0x3] =	wrdreg s2  }
0xb1: {  	[dreg:$0x4] =	wrdreg s18  }
0xb2: {  	[dreg:$0x5] =	wrdreg $0x9  }
0xb3: {  	_ =	task.clear_ibuf [dreg:s8], $0x6FFFF;
	_ =	strace $0x90000046  }
0xb4: {  	s29 =	simm.s32 $0x9;
	_ =	strace $0x80000048  }
0xb5: {  	_ =	swait.ge [sflag:s29], $0x1  }
0xb6: {  	[sflag:s29] =	ssyncadd.s32 $0xFFFFFFFF  }
0xb7: {  	_ =	strace $0x90000048  }
0xb8: {  	_ =	sfence  }
0xb9: {  	s30 =	sld [smem:$0x0];
	_ =	sdelay $0x2  }
0xba: {  	s31 =	sshll.u32 s1, $0xD;
	s1 =	sshrl.u32 s1, $0x2  }
0xbb: {  	s3 =	sand.u32 $0x4000, s31;
	s1 =	sadd.s32 s1, s30  }
0xbc: {  	s0 =	sor.u32 s3, s0;
	s1 =	sshll.u32 s1, $0x11  }
0xbd: {  	s0 =	sor.u32 s1, s0  }
0xbe: {  	s0 =	sadd.s32 $0x8F2B, s0  }
0xbf: {  	[sflag:s0] =	ssyncadd.remote.s32 $0x1  }
0xc0: {  	_ =	sfence.sel $0xFFFF  }
0xc1: {  	[dreg:$0x0] =	wrdreg $0xFFFFFFFF;
	(pc) =	sbr.abs _section_cstart, $3  }
0xc2: {  	[dreg:$0x1] =	wrdreg $0xFFFFFFFF  }
0xc3: {  	_ =	task.clear_ibuf [dreg:s8], $0x2FFFF;
	_ =	strace $0x9FFFFFFF  }
0xc4: {  	(tm) =	ssettm $0x7FFFFFFF  }
0xc5: {  	_ =	shalt  }
tec
execute0_lowered:
.L_overlay_start_1:
0x0: {  	(tag) =	ssettag $0x1  }
0x1: {  	s0 =	rddreg [dreg:$0x0];
	s3 =	simm.s32 $0x0  }
0x2: {  	s1 =	srdreg.scid;
	s5 =	stileid.u32;
	s12 =	simm.s32 $0x2  }
0x3: {  	s13 =	simm.s32 $0x3;
	s14 =	simm.s32 $0x8980;
	s15 =	simm.s32 $0x9600  }
0x4: {  	s17 =	simm.s32 $0x80;
	s18 =	simm.s32 $0xAF00;
	s20 =	simm.s32 $0xFF00  }
0x5: {  	s21 =	simm.s32 $0x9400;
	s22 =	simm.s32 $0x10300;
	s23 =	simm.s32 $0x9480  }
0x6: {  	s28 =	simm.s32 $0x9580;
	s29 =	simm.s32 $0x10F00;
	s30 =	simm.s32 $0x1  }
0x7: {  	s31 =	simm.s32 $0x11300;
	[smem:$0x7FF] =	sst s3;
	s4 =	sand.u32 $0x1, s1  }
0x8: {  	s6 =	sadd.s32 $0xB8C00, s0;
	s24 =	sadd.s32 $0xB7C00, s0;
	s8 =	sadd.s32 $0x3DA00, s0  }
.Ltmp0:
0x9: {  	s9 =	sadd.s32 $0x132E00, s0;
	s25 =	ssub.s32 $0x2, s4;
	(pc) =	sbr.rel .LBB2_1-.Ltmp0, $4  }
0xa: {  	s10 =	sshll.u32 s5, $0x1;
	_ =	strace $0x80000047;
	s2 =	sshrl.u32 s25, $0x1  }
0xb: {  	v0 =	vlaneseq.u32;
	[dreg:$0x4] =	wrdreg s24;
	s24 =	simm.s32 $0x10700;
	s26 =	ssub.s32 s25, s2  }
0xc: {  	v1 =	vand.u32 $0x7, v0;
	s25 =	simm.s32 $0x9500;
	s2 =	simm.s32 $0x0;
	s0 =	smax.u32 s26, $0x1  }
0xd: {  	v2 =	vor.u32 $0x78, v1;
	s26 =	simm.s32 $0x10B00;
	[dreg:$0x5] =	wrdreg s0;
	s0 =	simm.s32 $0x11F80  }
.LBB2_7:
0xe: {  	s2 =	rddreg [dreg:$0x6]  }
0xf: {  	s1 =	rddreg [dreg:$0x5];
	s2 =	sadd.s32 $0x1, s2  }
0x10: {  	p0 =	sne.s32 s2, s1  }
.Ltmp1:
0x11: {  	_ = 	snop;
	(pc) =	sbr.rel @!p0 .LBB2_8-.Ltmp1, $1  }
0x12: {  	_ =	sdelay $0x3  }
.LBB2_1:
0x13: {  	[dreg:$0x6] =	wrdreg s2  }
.Ltmp2:
0x14: {  	s1 =	rddreg [dreg:$0x4];
	(pc) =	sbr.rel .LBB2_2-.Ltmp2, $4  }
0x15: {  	[tilespmem:s3], [sflag:$0x2] =	stream.linear.gather [hbm4b:s1+s3], $0x7D00, $0x38;
	[tilespmem:$0x12C00] =	vst v63  }
0x16: {  	_ =	swait.ge [sflag:s12], $0x7D00  }
0x17: {  	[sflag:s12] =	ssyncset.done $0x0  }
0x18: {  	s5 =	simm.s32 $0x0;
	[sflag:s12] =	ssyncadd.s32 $0xFFFF8300  }
.LBB2_6:
0x19: {  	s5 =	sadd.s32 $0x1, s5  }
0x1a: {  	p0 =	sne.s32 s5, $0x14  }
.Ltmp3:
0x1b: {  	_ = 	snop;
	(pc) =	sbr.rel @!p0 .LBB2_7-.Ltmp3, $1  }
0x1c: {  	_ =	sdelay $0x3  }
.LBB2_2:
0x1d: {  	s1 =	sshll.u32 s5, $0x5  }
0x1e: {  	s1 =	sor.u32 s1, s10  }
0x1f: {  	s11 =	sor.u32 s4, s1  }
0x20: {  	p0 =	sgt.u32 s11, $0x270  }
.Ltmp4:
0x21: {  	_ = 	snop;
	(pc) =	sbr.rel @p0 .LBB2_6-.Ltmp4, $1  }
0x22: {  	_ =	sdelay $0x3  }
0x23: {  	s7 =	smul.u32 $0x190, s11  }
0x24: {  	s1 =	rddreg [dreg:$0x1]  }
0x25: {  	s2 =	simm.s32 $0x7D00;
	s16 =	sadd.s32 s1, s7;
	s1 =	simm.s32 $0x0  }
0x26: {  	[tilespmem:s2], [sflag:$0x3] =	stream.linear.gather [hbm4b:s16+s1], $0xC80, $0x38;
	[tilespmem:$0x12C00] =	vst v63  }
0x27: {  	_ =	swait.ge [sflag:s13], $0xC80  }
0x28: {  	[sflag:s13] =	ssyncset.done $0x0  }
0x29: {  	[sflag:s13] =	ssyncadd.s32 $0xFFFFF380  }
0x2a: {  	s19 =	rddreg [dreg:$0x2]  }
0x2b: {  	s16 =	sadd.s32 s19, s7  }
0x2c: {  	[tilespmem:s14], [sflag:$0x3] =	stream.linear.gather [hbm4b:s16+s1], $0xC80, $0x38;
	[tilespmem:$0x12C00] =	vst v63  }
0x2d: {  	_ =	swait.ge [sflag:s13], $0xC80  }
0x2e: {  	[sflag:s13] =	ssyncset.done $0x0  }
0x2f: {  	s19 =	smul.u32 $0xC80, s11;
	s16 =	sadd.s32 s6, s7;
	[sflag:s13] =	ssyncadd.s32 $0xFFFFF380  }
0x30: {  	[tilespmem:s15], [sflag:$0x3] =	stream.linear.gather [hbm4b:s16+s1], $0xC80, $0x38;
	[tilespmem:$0x12C00] =	vst v63  }
0x31: {  	s11 =	sshrl.u32 s19, $0x3;
	_ =	swait.ge [sflag:s13], $0xC80  }
0x32: {  	s11 =	sadd.s32 $0x3D090, s11;
	[sflag:s13] =	ssyncset.done $0x0  }
0x33: {  	s19 =	simm.s32 $0xA280;
	s16 =	sadd.s32 s6, s11;
	[sflag:s13] =	ssyncadd.s32 $0xFFFFF380  }
0x34: {  	[tilespmem:s19], [sflag:$0x3] =	stream.linear.gather [hbm4b:s16+s1], $0xC80, $0x38;
	[tilespmem:$0x12C00] =	vst v63  }
0x35: {  	_ =	swait.ge [sflag:s13], $0xC80  }
0x36: {  	[sflag:s13] =	ssyncset.done $0x0  }
0x37: {  	[sflag:s13] =	ssyncadd.s32 $0xFFFFF380  }
0x38: {  	[tilespmem:s18], [sflag:$0x1] =	stream.indirect.gather [hbm4b:s8+s17], $0x4, s14, s17, $0xb8;
	[tilespmem:$0x12C00] =	vst v63  }
0x39: {  	s16 =	simm.s32 $0x8A00;
	s19 =	simm.s32 $0xB300  }
0x3a: {  	[tilespmem:s19], [sflag:$0x1] =	stream.indirect.gather [hbm4b:s8+s17], $0x4, s16, s17, $0xb8;
	[tilespmem:$0x12C00] =	vst v63  }
0x3b: {  	s16 =	simm.s32 $0x8A80;
	s19 =	simm.s32 $0xB700  }
0x3c: {  	[tilespmem:s19], [sflag:$0x1] =	stream.indirect.gather [hbm4b:s8+s17], $0x4, s16, s17, $0xb8;
	[tilespmem:$0x12C00] =	vst v63  }
0x3d: {  	s16 =	simm.s32 $0x8B00;
	s19 =	simm.s32 $0xBB00  }
0x3e: {  	[tilespmem:s19], [sflag:$0x1] =	stream.indirect.gather [hbm4b:s8+s17], $0x4, s16, s17, $0xb8;
	[tilespmem:$0x12C00] =	vst v63  }
0x3f: {  	s16 =	simm.s32 $0x8B80;
	s19 =	simm.s32 $0xBF00  }
0x40: {  	[tilespmem:s19], [sflag:$0x1] =	stream.indirect.gather [hbm4b:s8+s17], $0x4, s16, s17, $0xb8;
	[tilespmem:$0x12C00] =	vst v63  }
0x41: {  	s16 =	simm.s32 $0x8C00;
	s19 =	simm.s32 $0xC300  }
0x42: {  	[tilespmem:s19], [sflag:$0x1] =	stream.indirect.gather [hbm4b:s8+s17], $0x4, s16, s17, $0xb8;
	[tilespmem:$0x12C00] =	vst v63  }
0x43: {  	s16 =	simm.s32 $0x8C80;
	s19 =	simm.s32 $0xC700  }
0x44: {  	[tilespmem:s19], [sflag:$0x1] =	stream.indirect.gather [hbm4b:s8+s17], $0x4, s16, s17, $0xb8;
	[tilespmem:$0x12C00] =	vst v63  }
0x45: {  	s16 =	simm.s32 $0x8D00;
	s19 =	simm.s32 $0xCB00  }
0x46: {  	[tilespmem:s19], [sflag:$0x1] =	stream.indirect.gather [hbm4b:s8+s17], $0x4, s16, s17, $0xb8;
	[tilespmem:$0x12C00] =	vst v63  }
0x47: {  	s16 =	simm.s32 $0x8D80;
	s19 =	simm.s32 $0xCF00  }
0x48: {  	[tilespmem:s19], [sflag:$0x1] =	stream.indirect.gather [hbm4b:s8+s17], $0x4, s16, s17, $0xb8;
	[tilespmem:$0x12C00] =	vst v63  }
0x49: {  	s16 =	simm.s32 $0x8E00;
	s19 =	simm.s32 $0xD300  }
0x4a: {  	[tilespmem:s19], [sflag:$0x1] =	stream.indirect.gather [hbm4b:s8+s17], $0x4, s16, s17, $0xb8;
	[tilespmem:$0x12C00] =	vst v63  }
0x4b: {  	s16 =	simm.s32 $0x8E80;
	s19 =	simm.s32 $0xD700  }
0x4c: {  	[tilespmem:s19], [sflag:$0x1] =	stream.indirect.gather [hbm4b:s8+s17], $0x4, s16, s17, $0xb8;
	[tilespmem:$0x12C00] =	vst v63  }
0x4d: {  	s16 =	simm.s32 $0x8F00;
	s19 =	simm.s32 $0xDB00  }
0x4e: {  	[tilespmem:s19], [sflag:$0x1] =	stream.indirect.gather [hbm4b:s8+s17], $0x4, s16, s17, $0xb8;
	[tilespmem:$0x12C00] =	vst v63  }
0x4f: {  	s16 =	simm.s32 $0x8F80;
	s19 =	simm.s32 $0xDF00  }
0x50: {  	[tilespmem:s19], [sflag:$0x1] =	stream.indirect.gather [hbm4b:s8+s17], $0x4, s16, s17, $0xb8;
	[tilespmem:$0x12C00] =	vst v63  }
0x51: {  	s16 =	simm.s32 $0x9000;
	s19 =	simm.s32 $0xE300  }
0x52: {  	[tilespmem:s19], [sflag:$0x1] =	stream.indirect.gather [hbm4b:s8+s17], $0x4, s16, s17, $0xb8;
	[tilespmem:$0x12C00] =	vst v63  }
0x53: {  	s16 =	simm.s32 $0x9080;
	s19 =	simm.s32 $0xE700  }
0x54: {  	[tilespmem:s19], [sflag:$0x1] =	stream.indirect.gather [hbm4b:s8+s17], $0x4, s16, s17, $0xb8;
	[tilespmem:$0x12C00] =	vst v63  }
0x55: {  	s16 =	simm.s32 $0x9100;
	s19 =	simm.s32 $0xEB00  }
0x56: {  	[tilespmem:s19], [sflag:$0x1] =	stream.indirect.gather [hbm4b:s8+s17], $0x4, s16, s17, $0xb8;
	[tilespmem:$0x12C00] =	vst v63  }
0x57: {  	s16 =	simm.s32 $0x9180;
	s19 =	simm.s32 $0xEF00  }
0x58: {  	[tilespmem:s19], [sflag:$0x1] =	stream.indirect.gather [hbm4b:s8+s17], $0x4, s16, s17, $0xb8;
	[tilespmem:$0x12C00] =	vst v63  }
0x59: {  	s16 =	simm.s32 $0x9200;
	s19 =	simm.s32 $0xF300  }
0x5a: {  	[tilespmem:s19], [sflag:$0x1] =	stream.indirect.gather [hbm4b:s8+s17], $0x4, s16, s17, $0xb8;
	[tilespmem:$0x12C00] =	vst v63  }
0x5b: {  	s16 =	simm.s32 $0x9280;
	s19 =	simm.s32 $0xF700  }
0x5c: {  	[tilespmem:s19], [sflag:$0x1] =	stream.indirect.gather [hbm4b:s8+s17], $0x4, s16, s17, $0xb8;
	[tilespmem:$0x12C00] =	vst v63  }
0x5d: {  	s16 =	simm.s32 $0x9300;
	s19 =	simm.s32 $0xFB00  }
0x5e: {  	[tilespmem:s19], [sflag:$0x1] =	stream.indirect.gather [hbm4b:s8+s17], $0x4, s16, s17, $0xb8;
	[tilespmem:$0x12C00] =	vst v63  }
0x5f: {  	s19 =	simm.s32 $0x9380  }
0x60: {  	[tilespmem:s20], [sflag:$0x1] =	stream.indirect.gather [hbm4b:s8+s17], $0x4, s19, s17, $0xb8;
	[tilespmem:$0x12C00] =	vst v63  }
0x61: {  	_ = 	snop  }
0x62: {  	[tilespmem:s22], [sflag:$0x1] =	stream.indirect.gather [hbm4b:s8+s17], $0x4, s21, s17, $0xb8;
	[tilespmem:$0x12C00] =	vst v63  }
0x63: {  	_ = 	snop  }
0x64: {  	[tilespmem:s24], [sflag:$0x1] =	stream.indirect.gather [hbm4b:s8+s17], $0x4, s23, s17, $0xb8;
	[tilespmem:$0x12C00] =	vst v63  }
0x65: {  	_ = 	snop  }
0x66: {  	[tilespmem:s26], [sflag:$0x1] =	stream.indirect.gather [hbm4b:s8+s17], $0x4, s25, s17, $0xb8;
	[tilespmem:$0x12C00] =	vst v63  }
0x67: {  	_ = 	snop  }
0x68: {  	[tilespmem:s29], [sflag:$0x1] =	stream.indirect.gather [hbm4b:s8+s17], $0x4, s28, s17, $0xb8;
	[tilespmem:$0x12C00] =	vst v63  }
0x69: {  	_ =	swait.ge [sflag:s30], $0x200  }
0x6a: {  	[sflag:s30] =	ssyncset.done $0x0  }
0x6b: {  	[sflag:s30] =	ssyncadd.s32 $0xFFFFFE00  }
0x6c: {  	_ =	swait.ge [sflag:s30], $0x200  }
0x6d: {  	[sflag:s30] =	ssyncset.done $0x0  }
0x6e: {  	[sflag:s30] =	ssyncadd.s32 $0xFFFFFE00  }
0x6f: {  	_ =	swait.ge [sflag:s30], $0x200  }
0x70: {  	[sflag:s30] =	ssyncset.done $0x0  }
0x71: {  	[sflag:s30] =	ssyncadd.s32 $0xFFFFFE00  }
0x72: {  	_ =	swait.ge [sflag:s30], $0x200  }
0x73: {  	[sflag:s30] =	ssyncset.done $0x0  }
0x74: {  	[sflag:s30] =	ssyncadd.s32 $0xFFFFFE00  }
0x75: {  	_ =	swait.ge [sflag:s30], $0x200  }
0x76: {  	[sflag:s30] =	ssyncset.done $0x0  }
0x77: {  	[sflag:s30] =	ssyncadd.s32 $0xFFFFFE00  }
0x78: {  	_ =	swait.ge [sflag:s30], $0x200  }
0x79: {  	[sflag:s30] =	ssyncset.done $0x0  }
0x7a: {  	[sflag:s30] =	ssyncadd.s32 $0xFFFFFE00  }
0x7b: {  	_ =	swait.ge [sflag:s30], $0x200  }
0x7c: {  	[sflag:s30] =	ssyncset.done $0x0  }
0x7d: {  	[sflag:s30] =	ssyncadd.s32 $0xFFFFFE00  }
0x7e: {  	_ =	swait.ge [sflag:s30], $0x200  }
0x7f: {  	[sflag:s30] =	ssyncset.done $0x0  }
0x80: {  	[sflag:s30] =	ssyncadd.s32 $0xFFFFFE00  }
0x81: {  	_ =	swait.ge [sflag:s30], $0x200  }
0x82: {  	[sflag:s30] =	ssyncset.done $0x0  }
0x83: {  	[sflag:s30] =	ssyncadd.s32 $0xFFFFFE00  }
0x84: {  	_ =	swait.ge [sflag:s30], $0x200  }
0x85: {  	[sflag:s30] =	ssyncset.done $0x0  }
0x86: {  	[sflag:s30] =	ssyncadd.s32 $0xFFFFFE00  }
0x87: {  	_ =	swait.ge [sflag:s30], $0x200  }
0x88: {  	[sflag:s30] =	ssyncset.done $0x0  }
0x89: {  	[sflag:s30] =	ssyncadd.s32 $0xFFFFFE00  }
0x8a: {  	_ =	swait.ge [sflag:s30], $0x200  }
0x8b: {  	[sflag:s30] =	ssyncset.done $0x0  }
0x8c: {  	[sflag:s30] =	ssyncadd.s32 $0xFFFFFE00  }
0x8d: {  	_ =	swait.ge [sflag:s30], $0x200  }
0x8e: {  	[sflag:s30] =	ssyncset.done $0x0  }
0x8f: {  	[sflag:s30] =	ssyncadd.s32 $0xFFFFFE00  }
0x90: {  	_ =	swait.ge [sflag:s30], $0x200  }
0x91: {  	[sflag:s30] =	ssyncset.done $0x0  }
0x92: {  	[sflag:s30] =	ssyncadd.s32 $0xFFFFFE00  }
0x93: {  	_ =	swait.ge [sflag:s30], $0x200  }
0x94: {  	[sflag:s30] =	ssyncset.done $0x0  }
0x95: {  	[sflag:s30] =	ssyncadd.s32 $0xFFFFFE00  }
0x96: {  	_ =	swait.ge [sflag:s30], $0x200  }
0x97: {  	[sflag:s30] =	ssyncset.done $0x0  }
0x98: {  	[sflag:s30] =	ssyncadd.s32 $0xFFFFFE00  }
0x99: {  	_ =	swait.ge [sflag:s30], $0x200  }
0x9a: {  	[sflag:s30] =	ssyncset.done $0x0  }
0x9b: {  	[sflag:s30] =	ssyncadd.s32 $0xFFFFFE00  }
0x9c: {  	_ =	swait.ge [sflag:s30], $0x200  }
0x9d: {  	[sflag:s30] =	ssyncset.done $0x0  }
0x9e: {  	[sflag:s30] =	ssyncadd.s32 $0xFFFFFE00  }
0x9f: {  	_ =	swait.ge [sflag:s30], $0x200  }
0xa0: {  	[sflag:s30] =	ssyncset.done $0x0  }
0xa1: {  	[sflag:s30] =	ssyncadd.s32 $0xFFFFFE00  }
0xa2: {  	_ =	swait.ge [sflag:s30], $0x200  }
0xa3: {  	[sflag:s30] =	ssyncset.done $0x0  }
0xa4: {  	[sflag:s30] =	ssyncadd.s32 $0xFFFFFE00  }
0xa5: {  	_ =	swait.ge [sflag:s30], $0x200  }
0xa6: {  	[sflag:s30] =	ssyncset.done $0x0  }
0xa7: {  	[sflag:s30] =	ssyncadd.s32 $0xFFFFFE00  }
0xa8: {  	_ =	swait.ge [sflag:s30], $0x200  }
0xa9: {  	[sflag:s30] =	ssyncset.done $0x0  }
0xaa: {  	[sflag:s30] =	ssyncadd.s32 $0xFFFFFE00  }
0xab: {  	_ =	swait.ge [sflag:s30], $0x200  }
0xac: {  	[sflag:s30] =	ssyncset.done $0x0  }
0xad: {  	[sflag:s30] =	ssyncadd.s32 $0xFFFFFE00  }
0xae: {  	_ =	swait.ge [sflag:s30], $0x200  }
0xaf: {  	[sflag:s30] =	ssyncset.done $0x0  }
0xb0: {  	[sflag:s30] =	ssyncadd.s32 $0xFFFFFE00  }
0xb1: {  	_ =	swait.ge [sflag:s30], $0x200  }
0xb2: {  	[sflag:s30] =	ssyncset.done $0x0  }
0xb3: {  	[sflag:s30] =	ssyncadd.s32 $0xFFFFFE00  }
0xb4: {  	v3 =	vld [tilespmem:s2+$0x0];
	_ =	sdelay $0x1  }
0xb5: {  	s16 =	simm.s32 $0x10  }
.LBB2_4:
0xb6: {  	p0 =	sne.s32 s16, $0xC70;
	_ =	sdelay $0x1  }
0xb7: {  	v3 =	vshll.u32 v3, $0x4  }
0xb8: {  	v4 =	vor.u32 $0x3, v3  }
0xb9: {  	v5 =	vor.u32 $0x4, v3;
	_ =	sdelay $0x1  }
0xba: {  	v6 =	vor.u32 $0x5, v3;
	_ =	sdelay $0x1  }
0xbb: {  	v7 =	vor.u32 $0x6, v3;
	v4 =	vld.idx.msk [tilespmem:v4+s3+$0x0], $0xffff  }
0xbc: {  	v5 =	vld.idx.msk [tilespmem:v5+s3+$0x0], $0xffff  }
0xbd: {  	v8 =	vor.u32 s1, v0  }
0xbe: {  	v9 =	vshll.u32 v8, $0x3;
	v6 =	vld.idx.msk [tilespmem:v6+s3+$0x0], $0xffff  }
0xbf: {  	v10 =	vor.u32 $0x1, v9  }
0xc0: {  	v11 =	vor.u32 $0x2, v9;
	v7 =	vld.idx.msk [tilespmem:v7+s3+$0x0], $0xffff;
	_ =	sdelay $0x1  }
0xc1: {  	v12 =	vmul.f32 v4, v4;
	v13 =	vmul.f32 v5, v5;
	_ =	sdelay $0x1  }
0xc2: {  	v12 =	vadd.f32 v13, v12;
	v13 =	vmul.f32 v6, v6;
	v10 =	vld.idx.msk [tilespmem:v10+s18+$0x0], $0xffff  }
0xc3: {  	v11 =	vld.idx.msk [tilespmem:v11+s18+$0x0], $0xffff  }
0xc4: {  	v12 =	vadd.f32 v13, v12;
	v13 =	vmul.f32 v7, v7;
	v9 =	vld.idx.msk [tilespmem:v9+s18+$0x0], $0xffff;
	_ =	sdelay $0x1  }
0xc5: {  	v12 =	vadd.f32 v13, v12;
	_ =	sdelay $0x1  }
0xc6: {  	(erf) = vrcp.f32 v12  }
0xc7: {  	v13 =	vmul.f32 v10, v6;
	v12 =	vmul.f32 v11, v5  }
0xc8: {  	v15 =	vmul.f32 v11, v4;
	v14 =	vmul.f32 v9, v6  }
0xc9: {  	v16 =	vmul.f32 v10, v4  }
0xca: {  	v12 =	vsub.f32 v12, v13;
	v13 =	vsub.f32 v14, v15;
	v14 =	vmul.f32 v9, v5  }
0xcb: {  	v15 =	vor.u32 $0x2, v3  }
0xcc: {  	v17 =	vmul.f32 v12, v5;
	v14 =	vsub.f32 v16, v14;
	v16 =	vmul.f32 v13, v4;
	_ =	sdelay $0x1  }
0xcd: {  	v16 =	vsub.f32 v16, v17;
	v17 =	vmul.f32 v14, v7  }
0xce: {  	v18 =	vpop (erf)  }
0xcf: {  	v16 =	vadd.f32 v16, v17;
	v15 =	vld.idx.msk [tilespmem:v15+s3+$0x0], $0xffff;
	v18 =	vadd.f32 v18, v18;
	_ =	sdelay $0x1  }
0xd0: {  	v16 =	vmul.f32 v16, v18;
	_ =	sdelay $0x1  }
0xd1: {  	v11 =	vadd.f32 v16, v11  }
0xd2: {  	v5 =	vmul.f32 v14, v5;
	v17 =	vmul.f32 v13, v6;
	v16 =	vor.u32 $0x1, v3  }
0xd3: {  	v4 =	vmul.f32 v14, v4;
	v6 =	vmul.f32 v12, v6;
	v11 =	vadd.f32 v11, v15  }
0xd4: {  	v12 =	vmul.f32 v12, v7;
	v7 =	vmul.f32 v13, v7  }
0xd5: {  	v5 =	vsub.f32 v5, v17;
	v4 =	vsub.f32 v6, v4;
	(erf) = vrcp.f32 v11  }
0xd6: {  	v6 =	vld.idx.msk [tilespmem:v3+s3+$0x0], $0xffff  }
0xd7: {  	v5 =	vadd.f32 v5, v12;
	v4 =	vadd.f32 v4, v7;
	v11 =	vld.idx.msk [tilespmem:v16+s3+$0x0], $0xffff;
	_ =	sdelay $0x1  }
0xd8: {  	v7 =	vor.u32 $0x8, v3;
	v5 =	vmul.f32 v5, v18;
	v4 =	vmul.f32 v4, v18  }
0xd9: {  	v12 =	vor.u32 $0x9, v3  }
0xda: {  	v5 =	vadd.f32 v5, v9;
	v4 =	vadd.f32 v4, v10;
	_ =	sdelay $0x1  }
0xdb: {  	v5 =	vadd.f32 v5, v6;
	v4 =	vadd.f32 v4, v11  }
0xdc: {  	v6 =	vld.idx.msk [tilespmem:v7+s3+$0x0], $0xffff;
	v7 =	vpop (erf)  }
0xdd: {  	v9 =	vld.idx.msk [tilespmem:v12+s3+$0x0], $0xffff;
	v5 =	vmul.f32 v7, v5;
	v4 =	vmul.f32 v7, v4  }
0xde: {  	v3 =	vor.u32 $0x7, v3  }
0xdf: {  	v7 =	vmov s1;
	s1 =	smov.u32 s16;
	v10 =	vmul.f32 v5, v5;
	v11 =	vmul.f32 v4, v4  }
0xe0: {  	v12 =	vand.u32 $0x78, v8;
	v7 =	vand.u32 $0xF80, v7  }
0xe1: {  	v8 =	vand.u32 v2, v8;
	v12 =	vor.u32 v12, v7;
	v10 =	vadd.f32 v11, v10  }
0xe2: {  	v7 =	vor.u32 v7, v8;
	v8 =	vor.u32 v1, v12  }
0xe3: {  	v8 =	vadd.s32 $0xC80, v8;
	v3 =	vld.idx.msk [tilespmem:v3+s3+$0x0], $0xffff;
	v6 =	vmul.f32 v10, v6;
	v9 =	vmul.f32 v10, v9;
	_ =	sdelay $0x1  }
0xe4: {  	v6 =	vadd.f32 $1.000000000e+00, v6;
	v9 =	vmul.f32 v9, v10;
	_ =	sdelay $0x1  }
0xe5: {  	v10 =	vld.idx.msk [tilespmem:v7+s15+$0x0], $0xffff;
	v6 =	vadd.f32 v9, v6  }
0xe6: {  	v9 =	vld.idx.msk [tilespmem:v8+s15+$0x0], $0xffff  }
0xe7: {  	v3 =	vmul.f32 v6, v3;
	_ =	sdelay $0x1  }
0xe8: {  	v5 =	vmul.f32 v3, v5  }
0xe9: {  	v3 =	vmul.f32 v3, v4  }
0xea: {  	v4 =	vsub.f32 v5, v10  }
0xeb: {  	v3 =	vsub.f32 v3, v9  }
.Ltmp5:
0xec: {  	[tilespmem:v7+s31+$0x0] =	vst.idx.msk $0xffff, v4;
	(pc) =	sbr.rel @p0 .LBB2_4-.Ltmp5, $3  }
0xed: {  	s2 =	sadd.s32 $0x10, s2;
	[tilespmem:v8+s31+$0x0] =	vst.idx.msk $0xffff, v3  }
0xee: {  	v3 =	vld [tilespmem:s2+$0x0];
	_ =	sdelay $0x1  }
0xef: {  	s16 =	sadd.s32 $0x10, s16  }
0xf0: {  	_ =	sdelay $0x1  }
0xf1: {  	v3 =	vshll.u32 v3, $0x4  }
0xf2: {  	v4 =	vor.u32 $0x3, v3  }
0xf3: {  	v5 =	vor.u32 $0x4, v3;
	_ =	sdelay $0x1  }
0xf4: {  	v6 =	vor.u32 $0x5, v3;
	_ =	sdelay $0x1  }
0xf5: {  	v7 =	vor.u32 $0x6, v3;
	v4 =	vld.idx.msk [tilespmem:v4+s3+$0x0], $0xffff  }
0xf6: {  	v5 =	vld.idx.msk [tilespmem:v5+s3+$0x0], $0xffff  }
0xf7: {  	v8 =	vor.u32 s1, v0  }
0xf8: {  	v9 =	vshll.u32 v8, $0x3;
	v6 =	vld.idx.msk [tilespmem:v6+s3+$0x0], $0xffff  }
0xf9: {  	v10 =	vor.u32 $0x1, v9  }
0xfa: {  	v11 =	vor.u32 $0x2, v9;
	v7 =	vld.idx.msk [tilespmem:v7+s3+$0x0], $0xffff  }
0xfb: {  	v12 =	vmul.f32 v4, v4;
	v13 =	vmul.f32 v5, v5;
	_ =	sdelay $0x1  }
0xfc: {  	v37 =	vmul.f32 v6, v6;
	v12 =	vadd.f32 v13, v12  }
0xfd: {  	v10 =	vld.idx.msk [tilespmem:v10+s18+$0x0], $0xffff  }
0xfe: {  	v11 =	vld.idx.msk [tilespmem:v11+s18+$0x0], $0xffff;
	v38 =	vmul.f32 v7, v7;
	v12 =	vadd.f32 v37, v12  }
0xff: {  	v9 =	vld.idx.msk [tilespmem:v9+s18+$0x0], $0xffff  }
0x100: {  	v12 =	vadd.f32 v38, v12;
	_ =	sdelay $0x1  }
0x101: {  	(erf) = vrcp.f32 v12  }
0x102: {  	v39 =	vmul.f32 v11, v5;
	v40 =	vmul.f32 v10, v6  }
0x103: {  	v14 =	vmul.f32 v9, v6;
	v15 =	vmul.f32 v11, v4  }
0x104: {  	v16 =	vmul.f32 v10, v4  }
0x105: {  	v42 =	vmul.f32 v9, v5;
	v41 =	vsub.f32 v14, v15;
	v12 =	vsub.f32 v39, v40  }
0x106: {  	v43 =	vor.u32 $0x2, v3  }
0x107: {  	v14 =	vsub.f32 v16, v42;
	v44 =	vmul.f32 v41, v4;
	v17 =	vmul.f32 v12, v5;
	_ =	sdelay $0x1  }
0x108: {  	v45 =	vmul.f32 v14, v7;
	v16 =	vsub.f32 v44, v17  }
0x109: {  	v18 =	vpop (erf)  }
0x10a: {  	v16 =	vadd.f32 v16, v45;
	v18 =	vadd.f32 v18, v18  }
0x10b: {  	v15 =	vld.idx.msk [tilespmem:v43+s3+$0x0], $0xffff  }
0x10c: {  	v16 =	vmul.f32 v16, v18;
	_ =	sdelay $0x1  }
0x10d: {  	v11 =	vadd.f32 v16, v11  }
0x10e: {  	v46 =	vor.u32 $0x1, v3;
	v47 =	vmul.f32 v41, v6;
	v4 =	vmul.f32 v14, v4  }
0x10f: {  	v5 =	vmul.f32 v14, v5;
	v6 =	vmul.f32 v12, v6;
	v11 =	vadd.f32 v11, v15  }
0x110: {  	v12 =	vmul.f32 v12, v7;
	v7 =	vmul.f32 v41, v7  }
0x111: {  	v5 =	vsub.f32 v5, v47;
	v4 =	vsub.f32 v6, v4;
	(erf) = vrcp.f32 v11;
	_ =	sdelay $0x1  }
0x112: {  	v48 =	vld.idx.msk [tilespmem:v3+s3+$0x0], $0xffff;
	v5 =	vadd.f32 v5, v12;
	v4 =	vadd.f32 v4, v7  }
0x113: {  	v49 =	vld.idx.msk [tilespmem:v46+s3+$0x0], $0xffff  }
0x114: {  	v5 =	vmul.f32 v5, v18;
	v4 =	vmul.f32 v4, v18  }
0x115: {  	v50 =	vor.u32 $0x8, v3  }
0x116: {  	v51 =	vor.u32 $0x9, v3;
	v5 =	vadd.f32 v5, v9;
	v4 =	vadd.f32 v4, v10;
	_ =	sdelay $0x1  }
0x117: {  	v5 =	vadd.f32 v5, v48;
	v4 =	vadd.f32 v4, v49  }
0x118: {  	v52 =	vpop (erf)  }
0x119: {  	v53 =	vld.idx.msk [tilespmem:v50+s3+$0x0], $0xffff;
	v5 =	vmul.f32 v52, v5;
	v4 =	vmul.f32 v52, v4  }
0x11a: {  	v54 =	vld.idx.msk [tilespmem:v51+s3+$0x0], $0xffff  }
0x11b: {  	v3 =	vor.u32 $0x7, v3;
	v56 =	vmul.f32 v5, v5;
	v57 =	vmul.f32 v4, v4  }
0x11c: {  	v55 =	vmov s1;
	v58 =	vand.u32 $0x78, v8  }
0x11d: {  	v8 =	vand.u32 v2, v8;
	v9 =	vand.u32 $0xF80, v55;
	v10 =	vadd.f32 v57, v56  }
0x11e: {  	v59 =	vor.u32 v58, v9;
	v8 =	vor.u32 v9, v8  }
0x11f: {  	v60 =	vor.u32 v1, v59;
	v7 =	vmul.f32 v10, v53;
	v6 =	vmul.f32 v10, v54  }
0x120: {  	v3 =	vld.idx.msk [tilespmem:v3+s3+$0x0], $0xffff;
	v9 =	vadd.s32 $0xC80, v60  }
0x121: {  	v7 =	vadd.f32 $1.000000000e+00, v7;
	v6 =	vmul.f32 v6, v10;
	_ =	sdelay $0x1  }
0x122: {  	v6 =	vadd.f32 v6, v7  }
0x123: {  	v61 =	vld.idx.msk [tilespmem:v8+s15+$0x0], $0xffff  }
0x124: {  	v62 =	vld.idx.msk [tilespmem:v9+s15+$0x0], $0xffff;
	v3 =	vmul.f32 v6, v3;
	_ =	sdelay $0x1  }
0x125: {  	v5 =	vmul.f32 v3, v5  }
0x126: {  	v3 =	vmul.f32 v3, v4  }
0x127: {  	v63 =	vsub.f32 v5, v61  }
0x128: {  	v3 =	vsub.f32 v3, v62  }
0x129: {  	[tilespmem:v8+s31+$0x0] =	vst.idx.msk $0xffff, v63  }
0x12a: {  	s16 =	sadd.s32 s9, s7;
	[tilespmem:v9+s31+$0x0] =	vst.idx.msk $0xffff, v3  }
0x12b: {  	[hbm4b:s16+s3] =	stream.linear.scatter [tilespmem:s31], [sflag:$0x3], $0xC80, $0x38;
	[tilespmem:$0x12C00] =	vst v63  }
0x12c: {  	_ =	swait.ge [sflag:s13], $0xC80  }
0x12d: {  	[sflag:s13] =	ssyncset.done $0x0  }
.Ltmp6:
0x12e: {  	s19 =	sadd.s32 s9, s11;
	[sflag:s13] =	ssyncadd.s32 $0xFFFFF380;
	(pc) =	sbr.rel .LBB2_6-.Ltmp6, $4  }
0x12f: {  	[hbm4b:s19+s3] =	stream.linear.scatter [tilespmem:s0], [sflag:$0x2], $0xC80, $0x38;
	[tilespmem:$0x12C00] =	vst v63  }
0x130: {  	_ =	swait.ge [sflag:s12], $0xC80  }
0x131: {  	[sflag:s12] =	ssyncset.done $0x0  }
0x132: {  	[sflag:s12] =	ssyncadd.s32 $0xFFFFF380  }
.LBB2_8:
0x133: {  	_ =	sfence.sel $0x180000  }
0x134: {  	[bflag:$0x0] =	sbarrier.arrive $0xFFFF  }
0x135: {  	_ =	strace $0x90000047  }
0x136: {  	s0 =	stileid.u32;
	[bflag:$0x2] =	sbarrier.arrive $0xFFFF  }
0x137: {  	p0 =	sne.s32 s0, $0x0;
	s0 =	rddreg [dreg:$0x3]  }
0x138: {  	s0 =	sadd.s32 @!p0 $0x100000, s0  }
0x139: {  	[sflag:s0] =	ssyncadd.tile.s32 @!p0 $0x1;
	_ =	shalt  }
.Lfunc_end2:
_tile_overlayer_lowered:
.L_overlay_start_2:
0x13a: {  	(tag) =	ssettag $0x2  }
0x13b: {  	s0 =	rddreg [dreg:$0x0];
	s2 =	stileid.u32  }
0x13c: {  	s1 =	rddreg [dreg:$0x1];
	p0 =	sne.s32 s2, $0x0  }
0x13d: {  	s3 =	rddreg [dreg:$0x2];
	[bflag:$0x3] =	sbarrier.arrive $0xFFFF;
	s2 =	simm.s32 @!p0 $0x1C02  }
0x13e: {  	[timem:s3], [sflag:s2] =	dma.local @!p0 [hbm:s0], s1  }
0x13f: {  	s0 =	simm.s32 @!p0 $0x2  }
0x140: {  	_ =	swait.ge @!p0 [sflag:s0], s1  }
0x141: {  	s1 =	ssub.s32 @!p0 $0x0, s1;
	[sflag:s0] =	ssyncset.done @!p0 $0x0  }
0x142: {  	[sflag:s0] =	ssyncadd.s32 @!p0 s1  }
0x143: {  	[bflag:$0x3] =	sbarrier.arrive $0xFFFF  }
0x144: {  	_ =	shalt  }

</sc_bundles>
